<compile_context>
chip_gen: v7x
topology: tpu7x:2x2x1
jax: 0.10.2.dev20260603
libtpu: 0.0.44.dev20260713+nightly
codegen_flags: <defaults>
</compile_context>

<pallas_src>
import functools

import jax
import jax.numpy as jnp
import numpy as np
from jax import lax
from jax.experimental import pallas as pl
from jax.experimental.pallas import tpu as pltpu
from jax.experimental.pallas import tpu_sc as plsc

C = 128
N = 10000
E = 320000
G = 64

NPAD = 10240
NACC = 10112
NCORES = 2
NSUB = 16
NW = NCORES * NSUB
EPW = E // NW
CH = 80
NCHUNK = EPW // CH
ROWS_PT = NPAD // NSUB
ROWS_ACC = NACC // NSUB


def _dot_t(a, b):
    return lax.dot_general(a, b, (((1,), (1,)), ((), ())),
                           preferred_element_type=jnp.float32)


def _dot_c0(a, b):
    return lax.dot_general(a, b, (((0,), (0,)), ((), ())),
                           preferred_element_type=jnp.float32)


def _dot(a, b):
    return lax.dot_general(a, b, (((1,), (0,)), ((), ())),
                           preferred_element_type=jnp.float32)



def _node_transform_body(x_ref, wl_ref, bl_ref, wr_ref, br_ref, xl_ref, xr_ref):
    x = x_ref[...]
    xl_ref[...] = _dot_t(x, wl_ref[...]) + bl_ref[...]
    xr_ref[...] = _dot_t(x, wr_ref[...]) + br_ref[...]


def _node_transform(x, wl, bl, wr, br):
    return pl.pallas_call(
        _node_transform_body,
        out_shape=(jax.ShapeDtypeStruct((N, C), jnp.float32),
                   jax.ShapeDtypeStruct((N, C), jnp.float32)),
    )(x, wl, bl.reshape(1, C), wr, br.reshape(1, C))


_BE = 2560


def _edge_transform_body(ea_ref, we_ref, out_ref):
    out_ref[...] = _dot_t(ea_ref[...].astype(jnp.bfloat16),
                          we_ref[...].astype(jnp.bfloat16))


def _edge_transform(edge_attr, we):
    return pl.pallas_call(
        _edge_transform_body,
        grid=(E // _BE,),
        in_specs=[pl.BlockSpec((_BE, C), lambda i: (i, 0)),
                  pl.BlockSpec((C, C), lambda i: (0, 0))],
        out_specs=pl.BlockSpec((_BE, C), lambda i: (i, 0)),
        out_shape=jax.ShapeDtypeStruct((E, C), jnp.float32),
    )(edge_attr, we)


def _combine_norm(acc0, acc1, s0, s1, bias, gamma, beta):
    out1 = (acc0 + acc1) / (s0 + s1 + 1e-16) + bias
    mu = jnp.mean(out1, axis=0, keepdims=True)
    var = jnp.mean((out1 - mu) ** 2, axis=0, keepdims=True)
    h = gamma * (out1 - mu) / jnp.sqrt(var + 1e-5) + beta
    return jnp.tanh(h)


def _mid_body(acc0_ref, acc1_ref, s0_ref, s1_ref, bias_ref, g_ref, be_ref,
              wl_ref, bl_ref, wr_ref, br_ref, xl_ref, xr_ref):
    h = _combine_norm(acc0_ref[...], acc1_ref[...], s0_ref[...], s1_ref[...],
                      bias_ref[...], g_ref[...], be_ref[...])
    xl_ref[...] = _dot_t(h, wl_ref[...]) + bl_ref[...]
    xr_ref[...] = _dot_t(h, wr_ref[...]) + br_ref[...]


def _mid_kernel(acc0, acc1, s0, s1, bias, gamma, beta, wl, bl, wr, br):
    return pl.pallas_call(
        _mid_body,
        out_shape=(jax.ShapeDtypeStruct((N, C), jnp.float32),
                   jax.ShapeDtypeStruct((N, C), jnp.float32)),
    )(acc0, acc1, s0, s1, bias.reshape(1, C), gamma.reshape(1, C),
      beta.reshape(1, C), wl, bl.reshape(1, C), wr, br.reshape(1, C))


def _final_body(acc0_ref, acc1_ref, s0_ref, s1_ref, bias_ref, g_ref, be_ref,
                batch_ref, w3_ref, b3_ref, w4_ref, b4_ref, w5_ref, b5_ref,
                out_ref):
    h = _combine_norm(acc0_ref[...], acc1_ref[...], s0_ref[...], s1_ref[...],
                      bias_ref[...], g_ref[...], be_ref[...])
    gate = _dot_t(jnp.tanh(_dot_t(h, w3_ref[...]) + b3_ref[...]),
                  w4_ref[...]) + b4_ref[...]
    ge = jnp.exp(gate)
    gids = lax.broadcasted_iota(jnp.int32, (G, N), 0)
    m = (batch_ref[...] == gids).astype(jnp.float32)
    sg = _dot(m, ge)
    denom = _dot_c0(m, sg)
    alpha = ge / (denom + 1e-16)
    pooled = _dot(m, alpha * h)
    out_ref[...] = jnp.tanh(_dot_t(pooled, w5_ref[...]) + b5_ref[...]) \
        * jnp.float32(np.pi)


def _final_kernel(acc0, acc1, s0, s1, bias, gamma, beta, batch,
                  w3, b3, w4, b4, w5, b5):
    return pl.pallas_call(
        _final_body,
        out_shape=jax.ShapeDtypeStruct((G, C), jnp.float32),
    )(acc0, acc1, s0, s1, bias.reshape(1, C), gamma.reshape(1, C),
      beta.reshape(1, C), batch.reshape(1, N), w3, b3.reshape(1, C),
      w4, b4.reshape(1, C), w5, b5.reshape(1, C))



IDXBLK = 25
NBLK = NCHUNK // IDXBLK


def _edge_agg_body(xl_hbm, xr_hbm, ea_hbm, src_hbm, dst_hbm, att_hbm,
                   zr_hbm, zs_hbm, acc_out, s_out,
                   xl_b, xr_b, ea_b, wr_b, w_b, si_blk, di_blk, di_prev,
                   att_b, acc_sh, s_sh, sem, sem2):
    cid = lax.axis_index("c")
    sid = lax.axis_index("s")
    wid = cid * NSUB + sid

    abase = sid * ROWS_ACC
    zbase = sid * ROWS_PT
    pltpu.sync_copy(zr_hbm.at[pl.ds(abase, ROWS_ACC), :],
                    acc_sh.at[pl.ds(abase, ROWS_ACC), :])
    pltpu.sync_copy(zs_hbm.at[pl.ds(zbase, ROWS_PT)],
                    s_sh.at[pl.ds(zbase, ROWS_PT)])
    pltpu.sync_copy(att_hbm, att_b)
    plsc.subcore_barrier()

    lane = lax.iota(jnp.int32, 16)

    pltpu.sync_copy(src_hbm.at[wid, 0], si_blk)
    pltpu.sync_copy(dst_hbm.at[wid, 0], di_blk)
    pltpu.async_copy(xl_hbm.at[si_blk.at[0]], xl_b, sem)
    pltpu.async_copy(xr_hbm.at[di_blk.at[0]], xr_b, sem)
    pltpu.async_copy(ea_hbm.at[pl.ds(wid * EPW, CH), :], ea_b, sem)

    @pl.loop(0, NCHUNK)
    def _chunk(i):
        cur = lax.rem(i, IDXBLK)
        nxt = lax.rem(i + 1, IDXBLK)

        pltpu.make_async_copy(xl_hbm.at[si_blk.at[cur]], xl_b, sem).wait()
        pltpu.make_async_copy(xr_hbm.at[di_blk.at[cur]], xr_b, sem).wait()
        pltpu.make_async_copy(ea_hbm.at[pl.ds(wid * EPW + i * CH, CH), :],
                              ea_b, sem).wait()

        @pl.when(i > 0)
        def _wait_prev_scatter():
            pltpu.make_async_copy(wr_b, acc_sh.at[di_prev], sem2).wait()

        for k in range(CH // 16):
            di_prev[pl.ds(k * 16, 16)] = di_blk[cur, pl.ds(k * 16, 16)]

        @pl.when((nxt == 0) & (i + 1 < NCHUNK))
        def _reload():
            blk = lax.div(i + 1, IDXBLK)
            pltpu.sync_copy(src_hbm.at[wid, blk], si_blk)
            pltpu.sync_copy(dst_hbm.at[wid, blk], di_blk)

        @plsc.parallel_loop(0, CH, unroll=2)
        def _edge(e):
            acc = jnp.zeros((16,), jnp.float32)
            for j in range(C // 16):
                a = xl_b[e, pl.ds(j * 16, 16)]
                b = xr_b[e, pl.ds(j * 16, 16)]
                d = ea_b[e, pl.ds(j * 16, 16)]
                s = a + b + d
                l = jnp.maximum(s, 0.2 * s)
                acc = acc + l * att_b[pl.ds(j * 16, 16)]
            logit = jnp.sum(acc)
            wv = jnp.exp(jnp.full((16,), logit, jnp.float32))
            plsc.store_scatter(w_b, [jnp.full((16,), e, jnp.int32)], wv,
                               mask=lane == 0)
            for j in range(C // 16):
                wr_b[e, pl.ds(j * 16, 16)] = xl_b[e, pl.ds(j * 16, 16)] * wv

        @pl.when(i + 1 < NCHUNK)
        def _issue_next():
            pltpu.async_copy(xl_hbm.at[si_blk.at[nxt]], xl_b, sem)
            pltpu.async_copy(xr_hbm.at[di_blk.at[nxt]], xr_b, sem)
            pltpu.async_copy(ea_hbm.at[pl.ds(wid * EPW + (i + 1) * CH, CH), :],
                             ea_b, sem)

        pltpu.async_copy(wr_b, acc_sh.at[di_prev], sem2, add=True)
        pltpu.sync_copy(w_b, s_sh.at[di_prev], add=True)

    pltpu.make_async_copy(wr_b, acc_sh.at[di_prev], sem2).wait()
    plsc.subcore_barrier()
    pltpu.sync_copy(acc_sh.at[pl.ds(abase, ROWS_ACC), :],
                    acc_out.at[cid, pl.ds(abase, ROWS_ACC), :])
    pltpu.sync_copy(s_sh.at[pl.ds(zbase, ROWS_PT)],
                    s_out.at[cid, pl.ds(zbase, ROWS_PT)])


@functools.partial(jax.jit, static_argnames=())
def _edge_aggregate(xl, xr, ea, src, dst, att, zr, zs):
    kern = pl.kernel(
        _edge_agg_body,
        out_type=(jax.ShapeDtypeStruct((NCORES, NACC, C), jnp.float32),
                  jax.ShapeDtypeStruct((NCORES, NPAD), jnp.float32)),
        mesh=plsc.VectorSubcoreMesh(core_axis_name="c", subcore_axis_name="s"),
        compiler_params=pltpu.CompilerParams(needs_layout_passes=False),
        scratch_types=[
            pltpu.VMEM((CH, C), jnp.float32),
            pltpu.VMEM((CH, C), jnp.float32),
            pltpu.VMEM((CH, C), jnp.float32),
            pltpu.VMEM((CH, C), jnp.float32),
            pltpu.VMEM((CH,), jnp.float32),
            pltpu.VMEM((IDXBLK, CH), jnp.int32),
            pltpu.VMEM((IDXBLK, CH), jnp.int32),
            pltpu.VMEM((CH,), jnp.int32),
            pltpu.VMEM((C,), jnp.float32),
            pltpu.VMEM_SHARED((NACC, C), jnp.float32),
            pltpu.VMEM_SHARED((NPAD,), jnp.float32),
            pltpu.SemaphoreType.DMA,
            pltpu.SemaphoreType.DMA,
        ],
    )
    return kern(xl, xr, ea, src, dst, att, zr, zs)



def kernel(x, edge_index, edge_attr, batch,
           Wl1, bl1, Wr1, br1, We1, att1, bias1, g1, be1,
           Wl2, bl2, Wr2, br2, We2, att2, bias2, g2, be2,
           W3, b3, W4, b4, W5, b5):
    src = edge_index[0].reshape(NW, NBLK, IDXBLK, CH)
    dst = edge_index[1].reshape(NW, NBLK, IDXBLK, CH)
    zr = jnp.zeros((NPAD, C), jnp.float32)
    zs = jnp.zeros((NPAD,), jnp.float32)

    xl1, xr1 = _node_transform(x, Wl1, bl1, Wr1, br1)
    ea1 = _edge_transform(edge_attr, We1)
    accp, sp = _edge_aggregate(xl1, xr1, ea1, src, dst, att1, zr, zs)
    acc0, acc1 = accp[0, :N], accp[1, :N]
    s0, s1 = sp[0, :N, None], sp[1, :N, None]

    xl2, xr2 = _mid_kernel(acc0, acc1, s0, s1, bias1, g1, be1,
                           Wl2, bl2, Wr2, br2)
    ea2 = _edge_transform(edge_attr, We2)
    accp2, sp2 = _edge_aggregate(xl2, xr2, ea2, src, dst, att2, zr, zs)
    acc20, acc21 = accp2[0, :N], accp2[1, :N]
    s20, s21 = sp2[0, :N, None], sp2[1, :N, None]

    axis = _final_kernel(acc20, acc21, s20, s21, bias2, g2, be2, batch,
                         W3, b3, W4, b4, W5, b5)
    return (axis, jnp.zeros_like(axis))

# --- scband reference (transcript-rebuilt; emitter-appended) ---
"""Pipeline reference for scband-answer2-cone-49572512530723 (READ-ONLY COPY).

The authoritative reference and input builder live on the scoring server;
editing this copy changes nothing except your own understanding.
"""

import jax, jax.numpy as jnp
import numpy as np

C = 128
N = 10000
E = 320000
G = 64

def setup_inputs(seed: int = 0):
    key = jax.random.key(seed)
    ks = jax.random.split(key, 20)
    inp = {}
    inp['x'] = jax.random.normal(ks[0], (N, C), dtype=jnp.float32)
    inp['edge_index'] = jax.random.randint(ks[1], (2, E), 0, N, dtype=jnp.int32)
    inp['edge_attr'] = jax.random.normal(ks[2], (E, C), dtype=jnp.float32)
    inp['batch'] = jnp.sort(jax.random.randint(ks[3], (N,), 0, G, dtype=jnp.int32))
    def lin(k):
        return jax.random.normal(k, (C, C), dtype=jnp.float32) * 0.05
    inp['Wl1'] = lin(ks[4]); inp['bl1'] = jnp.zeros((C,), jnp.float32)
    inp['Wr1'] = lin(ks[5]); inp['br1'] = jnp.zeros((C,), jnp.float32)
    inp['We1'] = lin(ks[6])
    inp['att1'] = jax.random.normal(ks[7], (C,), dtype=jnp.float32) * 0.05
    inp['bias1'] = jnp.zeros((C,), jnp.float32)
    inp['g1'] = jnp.ones((C,), jnp.float32); inp['be1'] = jnp.zeros((C,), jnp.float32)
    inp['Wl2'] = lin(ks[8]); inp['bl2'] = jnp.zeros((C,), jnp.float32)
    inp['Wr2'] = lin(ks[9]); inp['br2'] = jnp.zeros((C,), jnp.float32)
    inp['We2'] = lin(ks[10])
    inp['att2'] = jax.random.normal(ks[11], (C,), dtype=jnp.float32) * 0.05
    inp['bias2'] = jnp.zeros((C,), jnp.float32)
    inp['g2'] = jnp.ones((C,), jnp.float32); inp['be2'] = jnp.zeros((C,), jnp.float32)
    inp['W3'] = lin(ks[12]); inp['b3'] = jnp.zeros((C,), jnp.float32)
    inp['W4'] = lin(ks[13]); inp['b4'] = jnp.zeros((C,), jnp.float32)
    inp['W5'] = lin(ks[14]); inp['b5'] = jnp.zeros((C,), jnp.float32)
    return inp

def _gatv2(x, edge_index, edge_attr, Wl, bl, Wr, br, We, att, bias):
    src = edge_index[0]
    dst = edge_index[1]
    xl = x @ Wl.T + bl
    xr = x @ Wr.T + br
    e = xl[src] + xr[dst] + edge_attr @ We.T
    e = jax.nn.leaky_relu(e, 0.2)
    logits = e @ att
    m = jax.ops.segment_max(logits, dst, num_segments=N)
    m = jnp.where(jnp.isfinite(m), m, 0.0)
    a = jnp.exp(logits - m[dst])
    s = jax.ops.segment_sum(a, dst, num_segments=N)
    alpha = a / (s[dst] + 1e-16)
    out = jax.ops.segment_sum(alpha[:, None] * xl[src], dst, num_segments=N)
    return out + bias

def _batchnorm(x, gamma, beta):
    mu = jnp.mean(x, axis=0)
    var = jnp.var(x, axis=0)
    return gamma * (x - mu) / jnp.sqrt(var + 1e-5) + beta

def _att_agg(x, batch, W3, b3, W4, b4):
    gate = jnp.tanh(x @ W3.T + b3) @ W4.T + b4
    m = jax.ops.segment_max(gate, batch, num_segments=G)
    m = jnp.where(jnp.isfinite(m), m, 0.0)
    g = jnp.exp(gate - m[batch])
    s = jax.ops.segment_sum(g, batch, num_segments=G)
    alpha = g / (s[batch] + 1e-16)
    return jax.ops.segment_sum(alpha * x, batch, num_segments=G)

def reference(x, edge_index, edge_attr, batch, Wl1, bl1, Wr1, br1, We1, att1, bias1, g1, be1, Wl2, bl2, Wr2, br2, We2, att2, bias2, g2, be2, W3, b3, W4, b4, W5, b5):
    h = _gatv2(x, edge_index, edge_attr, Wl1, bl1, Wr1, br1, We1, att1, bias1)
    h = _batchnorm(h, g1, be1)
    h = jnp.tanh(h)
    h = _gatv2(h, edge_index, edge_attr, Wl2, bl2, Wr2, br2, We2, att2, bias2)
    h = _batchnorm(h, g2, be2)
    h = jnp.tanh(h)
    h = _att_agg(h, batch, W3, b3, W4, b4)
    h = jnp.tanh(h @ W5.T + b5)
    axis = h * jnp.float32(np.pi)
    aperture = jnp.zeros_like(axis)
    return (axis, aperture)

if __name__ == "__main__":
    import jax
    _d = setup_inputs()
    print(jax.jit(kernel)(*tuple(_d.values())))

</pallas_src>

<mosaic_0001>
#map = affine_map<(d0, d1) -> (0, 0)>
#map1 = affine_map<(d0, d1) -> (0, 0, 0, 0)>
#map2 = affine_map<(d0, d1) -> (0)>
#map3 = affine_map<(d0, d1) -> (0, 0, 0)>
module attributes {stable_mosaic.version = 14 : i64} {
  func.func @_edge_agg_body(%arg0: i32, %arg1: i32, %arg2: memref<10000x128xf32, #tpu.memory_space<hbm>>, %arg3: memref<10000x128xf32, #tpu.memory_space<hbm>>, %arg4: memref<320000x128xf32, #tpu.memory_space<hbm>>, %arg5: memref<32x5x25x80xi32, #tpu.memory_space<hbm>>, %arg6: memref<32x5x25x80xi32, #tpu.memory_space<hbm>>, %arg7: memref<128xf32, #tpu.memory_space<hbm>>, %arg8: memref<10240x128xf32, #tpu.memory_space<hbm>>, %arg9: memref<10240xf32, #tpu.memory_space<hbm>>, %arg10: memref<2x10112x128xf32, #tpu.memory_space<hbm>>, %arg11: memref<2x10240xf32, #tpu.memory_space<hbm>>, %arg12: memref<80x128xf32, #tpu.memory_space<vmem>>, %arg13: memref<80x128xf32, #tpu.memory_space<vmem>>, %arg14: memref<80x128xf32, #tpu.memory_space<vmem>>, %arg15: memref<80x128xf32, #tpu.memory_space<vmem>>, %arg16: memref<80xf32, #tpu.memory_space<vmem>>, %arg17: memref<25x80xi32, #tpu.memory_space<vmem>>, %arg18: memref<25x80xi32, #tpu.memory_space<vmem>>, %arg19: memref<80xi32, #tpu.memory_space<vmem>>, %arg20: memref<128xf32, #tpu.memory_space<vmem>>, %arg21: memref<10112x128xf32, #tpu.memory_space<vmem_shared>>, %arg22: memref<10240xf32, #tpu.memory_space<vmem_shared>>, %arg23: memref<!tpu.dma_semaphore, #tpu.memory_space<semaphore_mem>>, %arg24: memref<!tpu.dma_semaphore, #tpu.memory_space<semaphore_mem>>) attributes {dimension_semantics = [#tpu.dimension_semantics<core_parallel>, #tpu.dimension_semantics<subcore_parallel>], iteration_bounds = array<i64: 2, 16>, scalar_prefetch = 0 : i64, scratch_operands = 13 : i64, tpu.core_type = #tpu.core_type<sc_vector_subcore>, window_params = [{transform_indices = #map}, {transform_indices = #map}, {transform_indices = #map}, {transform_indices = #map1}, {transform_indices = #map1}, {transform_indices = #map2}, {transform_indices = #map}, {transform_indices = #map2}, {transform_indices = #map3}, {transform_indices = #map}]} {
    %mul3A = arith.constant 16 : i32
    %mul3A_0 = arith.muli %arg0, %mul3A : i32
    %add3A = arith.addi %mul3A_0, %arg1 : i32
    %mul3A_1 = arith.constant 632 : i32
    %mul3A_2 = arith.muli %arg1, %mul3A_1 : i32
    %mul3A_3 = arith.constant 640 : i32
    %mul3A_4 = arith.muli %arg1, %mul3A_3 : i32
    "tpu.region"() ({
      %run_scoped3A_32 = tpu.sem_alloc : memref<!tpu.dma_semaphore, #tpu.memory_space<semaphore_mem>>
      %dma_start3A_33 = arith.constant 0 : i32
      %dma_start3A_34 = tpu.memref_slice %arg21[%mul3A_2, %dma_start3A_33] : memref<10112x128xf32, #tpu.memory_space<vmem_shared>> -> memref<632x128xf32, #tpu.memory_space<vmem_shared>>
      %dma_start3A_35 = arith.constant 0 : i32
      %dma_start3A_36 = tpu.memref_slice %arg8[%mul3A_2, %dma_start3A_35] : memref<10240x128xf32, #tpu.memory_space<hbm>> -> memref<632x128xf32, #tpu.memory_space<hbm>>
      tpu.enqueue_dma source(%dma_start3A_36 : memref<632x128xf32, #tpu.memory_space<hbm>>) target(%dma_start3A_34 : memref<632x128xf32, #tpu.memory_space<vmem_shared>>) target_semaphore(%run_scoped3A_32 : memref<!tpu.dma_semaphore, #tpu.memory_space<semaphore_mem>>)
      %dma_wait3A_37 = arith.constant 0 : i32
      %dma_wait3A_38 = tpu.memref_slice %arg21[%mul3A_2, %dma_wait3A_37] : memref<10112x128xf32, #tpu.memory_space<vmem_shared>> -> memref<632x128xf32, #tpu.memory_space<vmem_shared>>
      %dma_wait3A_39 = arith.constant 0 : i32
      %dma_wait3A_40 = tpu.memref_slice %arg8[%mul3A_2, %dma_wait3A_39] : memref<10240x128xf32, #tpu.memory_space<hbm>> -> memref<632x128xf32, #tpu.memory_space<hbm>>
      tpu.wait_dma2 semaphore(%run_scoped3A_32 : memref<!tpu.dma_semaphore, #tpu.memory_space<semaphore_mem>>) src(%dma_wait3A_40 : memref<632x128xf32, #tpu.memory_space<hbm>>) dst(%dma_wait3A_38 : memref<632x128xf32, #tpu.memory_space<vmem_shared>>)
      tpu.yield
    }) : () -> ()
    "tpu.region"() ({
      %run_scoped3A_32 = tpu.sem_alloc : memref<!tpu.dma_semaphore, #tpu.memory_space<semaphore_mem>>
      %dma_start3A_33 = tpu.memref_slice %arg22[%mul3A_4] : memref<10240xf32, #tpu.memory_space<vmem_shared>> -> memref<640xf32, #tpu.memory_space<vmem_shared>>
      %dma_start3A_34 = tpu.memref_slice %arg9[%mul3A_4] : memref<10240xf32, #tpu.memory_space<hbm>> -> memref<640xf32, #tpu.memory_space<hbm>>
      tpu.enqueue_dma source(%dma_start3A_34 : memref<640xf32, #tpu.memory_space<hbm>>) target(%dma_start3A_33 : memref<640xf32, #tpu.memory_space<vmem_shared>>) target_semaphore(%run_scoped3A_32 : memref<!tpu.dma_semaphore, #tpu.memory_space<semaphore_mem>>)
      %dma_wait3A_35 = tpu.memref_slice %arg22[%mul3A_4] : memref<10240xf32, #tpu.memory_space<vmem_shared>> -> memref<640xf32, #tpu.memory_space<vmem_shared>>
      %dma_wait3A_36 = tpu.memref_slice %arg9[%mul3A_4] : memref<10240xf32, #tpu.memory_space<hbm>> -> memref<640xf32, #tpu.memory_space<hbm>>
      tpu.wait_dma2 semaphore(%run_scoped3A_32 : memref<!tpu.dma_semaphore, #tpu.memory_space<semaphore_mem>>) src(%dma_wait3A_36 : memref<640xf32, #tpu.memory_space<hbm>>) dst(%dma_wait3A_35 : memref<640xf32, #tpu.memory_space<vmem_shared>>)
      tpu.yield
    }) : () -> ()
    "tpu.region"() ({
      %run_scoped3A_32 = tpu.sem_alloc : memref<!tpu.dma_semaphore, #tpu.memory_space<semaphore_mem>>
      tpu.enqueue_dma source(%arg7 : memref<128xf32, #tpu.memory_space<hbm>>) target(%arg20 : memref<128xf32, #tpu.memory_space<vmem>>) target_semaphore(%run_scoped3A_32 : memref<!tpu.dma_semaphore, #tpu.memory_space<semaphore_mem>>)
      tpu.wait_dma2 semaphore(%run_scoped3A_32 : memref<!tpu.dma_semaphore, #tpu.memory_space<semaphore_mem>>) src(%arg7 : memref<128xf32, #tpu.memory_space<hbm>>) dst(%arg20 : memref<128xf32, #tpu.memory_space<vmem>>)
      tpu.yield
    }) : () -> ()
    %barrier3A = arith.constant 0 : index
    tpu.barrier barrier_id(%barrier3A)
    %iota3A = tpu.iota {dimensions = array<i32: 0>} : vector<16xi32>
    %run_scoped3A = arith.constant 0 : i32
    "tpu.region"() ({
      %run_scoped3A_32 = tpu.sem_alloc : memref<!tpu.dma_semaphore, #tpu.memory_space<semaphore_mem>>
      %dma_start3A_33 = arith.constant 0 : i32
      %dma_start3A_34 = arith.constant 0 : i32
      %dma_start3A_35 = tpu.memref_slice %arg5[%add3A, %run_scoped3A, %dma_start3A_33, %dma_start3A_34] : memref<32x5x25x80xi32, #tpu.memory_space<hbm>> -> memref<1x1x25x80xi32, #tpu.memory_space<hbm>>
      %dma_start3A_36 = tpu.memref_squeeze %dma_start3A_35 : memref<1x1x25x80xi32, #tpu.memory_space<hbm>> -> memref<25x80xi32, #tpu.memory_space<hbm>>
      %dma_start3A_37 = arith.constant 0 : i32
      %dma_start3A_38 = arith.constant 0 : i32
      %dma_start3A_39 = tpu.memref_slice %arg5[%add3A, %run_scoped3A, %dma_start3A_37, %dma_start3A_38] : memref<32x5x25x80xi32, #tpu.memory_space<hbm>> -> memref<1x1x25x80xi32, #tpu.memory_space<hbm>>
      %dma_start3A_40 = tpu.memref_squeeze %dma_start3A_39 : memref<1x1x25x80xi32, #tpu.memory_space<hbm>> -> memref<25x80xi32, #tpu.memory_space<hbm>>
      tpu.enqueue_dma source(%dma_start3A_40 : memref<25x80xi32, #tpu.memory_space<hbm>>) target(%arg17 : memref<25x80xi32, #tpu.memory_space<vmem>>) target_semaphore(%run_scoped3A_32 : memref<!tpu.dma_semaphore, #tpu.memory_space<semaphore_mem>>)
      %dma_wait3A_41 = arith.constant 0 : i32
      %dma_wait3A_42 = arith.constant 0 : i32
      %dma_wait3A_43 = tpu.memref_slice %arg5[%add3A, %run_scoped3A, %dma_wait3A_41, %dma_wait3A_42] : memref<32x5x25x80xi32, #tpu.memory_space<hbm>> -> memref<1x1x25x80xi32, #tpu.memory_space<hbm>>
      %dma_wait3A_44 = tpu.memref_squeeze %dma_wait3A_43 : memref<1x1x25x80xi32, #tpu.memory_space<hbm>> -> memref<25x80xi32, #tpu.memory_space<hbm>>
      %dma_wait3A_45 = arith.constant 0 : i32
      %dma_wait3A_46 = arith.constant 0 : i32
      %dma_wait3A_47 = tpu.memref_slice %arg5[%add3A, %run_scoped3A, %dma_wait3A_45, %dma_wait3A_46] : memref<32x5x25x80xi32, #tpu.memory_space<hbm>> -> memref<1x1x25x80xi32, #tpu.memory_space<hbm>>
      %dma_wait3A_48 = tpu.memref_squeeze %dma_wait3A_47 : memref<1x1x25x80xi32, #tpu.memory_space<hbm>> -> memref<25x80xi32, #tpu.memory_space<hbm>>
      tpu.wait_dma2 semaphore(%run_scoped3A_32 : memref<!tpu.dma_semaphore, #tpu.memory_space<semaphore_mem>>) src(%dma_wait3A_48 : memref<25x80xi32, #tpu.memory_space<hbm>>) dst(%arg17 : memref<25x80xi32, #tpu.memory_space<vmem>>)
      tpu.yield
    }) : () -> ()
    %run_scoped3A_5 = arith.constant 0 : i32
    "tpu.region"() ({
      %run_scoped3A_32 = tpu.sem_alloc : memref<!tpu.dma_semaphore, #tpu.memory_space<semaphore_mem>>
      %dma_start3A_33 = arith.constant 0 : i32
      %dma_start3A_34 = arith.constant 0 : i32
      %dma_start3A_35 = tpu.memref_slice %arg6[%add3A, %run_scoped3A_5, %dma_start3A_33, %dma_start3A_34] : memref<32x5x25x80xi32, #tpu.memory_space<hbm>> -> memref<1x1x25x80xi32, #tpu.memory_space<hbm>>
      %dma_start3A_36 = tpu.memref_squeeze %dma_start3A_35 : memref<1x1x25x80xi32, #tpu.memory_space<hbm>> -> memref<25x80xi32, #tpu.memory_space<hbm>>
      %dma_start3A_37 = arith.constant 0 : i32
      %dma_start3A_38 = arith.constant 0 : i32
      %dma_start3A_39 = tpu.memref_slice %arg6[%add3A, %run_scoped3A_5, %dma_start3A_37, %dma_start3A_38] : memref<32x5x25x80xi32, #tpu.memory_space<hbm>> -> memref<1x1x25x80xi32, #tpu.memory_space<hbm>>
      %dma_start3A_40 = tpu.memref_squeeze %dma_start3A_39 : memref<1x1x25x80xi32, #tpu.memory_space<hbm>> -> memref<25x80xi32, #tpu.memory_space<hbm>>
      tpu.enqueue_dma source(%dma_start3A_40 : memref<25x80xi32, #tpu.memory_space<hbm>>) target(%arg18 : memref<25x80xi32, #tpu.memory_space<vmem>>) target_semaphore(%run_scoped3A_32 : memref<!tpu.dma_semaphore, #tpu.memory_space<semaphore_mem>>)
      %dma_wait3A_41 = arith.constant 0 : i32
      %dma_wait3A_42 = arith.constant 0 : i32
      %dma_wait3A_43 = tpu.memref_slice %arg6[%add3A, %run_scoped3A_5, %dma_wait3A_41, %dma_wait3A_42] : memref<32x5x25x80xi32, #tpu.memory_space<hbm>> -> memref<1x1x25x80xi32, #tpu.memory_space<hbm>>
      %dma_wait3A_44 = tpu.memref_squeeze %dma_wait3A_43 : memref<1x1x25x80xi32, #tpu.memory_space<hbm>> -> memref<25x80xi32, #tpu.memory_space<hbm>>
      %dma_wait3A_45 = arith.constant 0 : i32
      %dma_wait3A_46 = arith.constant 0 : i32
      %dma_wait3A_47 = tpu.memref_slice %arg6[%add3A, %run_scoped3A_5, %dma_wait3A_45, %dma_wait3A_46] : memref<32x5x25x80xi32, #tpu.memory_space<hbm>> -> memref<1x1x25x80xi32, #tpu.memory_space<hbm>>
      %dma_wait3A_48 = tpu.memref_squeeze %dma_wait3A_47 : memref<1x1x25x80xi32, #tpu.memory_space<hbm>> -> memref<25x80xi32, #tpu.memory_space<hbm>>
      tpu.wait_dma2 semaphore(%run_scoped3A_32 : memref<!tpu.dma_semaphore, #tpu.memory_space<semaphore_mem>>) src(%dma_wait3A_48 : memref<25x80xi32, #tpu.memory_space<hbm>>) dst(%arg18 : memref<25x80xi32, #tpu.memory_space<vmem>>)
      tpu.yield
    }) : () -> ()
    %dma_start3A = arith.constant 0 : i32
    %dma_start3A_6 = arith.constant 0 : i32
    %dma_start3A_7 = tpu.memref_slice %arg17[%dma_start3A, %dma_start3A_6] : memref<25x80xi32, #tpu.memory_space<vmem>> -> memref<1x80xi32, #tpu.memory_space<vmem>>
    %dma_start3A_8 = tpu.memref_squeeze %dma_start3A_7 : memref<1x80xi32, #tpu.memory_space<vmem>> -> memref<80xi32, #tpu.memory_space<vmem>>
    %dma_start3A_9 = arith.constant 0 : i32
    %dma_start3A_10 = arith.constant 0 : i32
    %dma_start3A_11 = tpu.memref_slice %arg2[%dma_start3A_9, %dma_start3A_10] : memref<10000x128xf32, #tpu.memory_space<hbm>> -> memref<10000x128xf32, #tpu.memory_space<hbm>>
    tpu.enqueue_indirect_dma source(%dma_start3A_11 : memref<10000x128xf32, #tpu.memory_space<hbm>>) target(%arg12 : memref<80x128xf32, #tpu.memory_space<vmem>>) offsets(%dma_start3A_8 : memref<80xi32, #tpu.memory_space<vmem>>) semaphore(%arg23 : memref<!tpu.dma_semaphore, #tpu.memory_space<semaphore_mem>>)
    %dma_start3A_12 = arith.constant 0 : i32
    %dma_start3A_13 = arith.constant 0 : i32
    %dma_start3A_14 = tpu.memref_slice %arg18[%dma_start3A_12, %dma_start3A_13] : memref<25x80xi32, #tpu.memory_space<vmem>> -> memref<1x80xi32, #tpu.memory_space<vmem>>
    %dma_start3A_15 = tpu.memref_squeeze %dma_start3A_14 : memref<1x80xi32, #tpu.memory_space<vmem>> -> memref<80xi32, #tpu.memory_space<vmem>>
    %dma_start3A_16 = arith.constant 0 : i32
    %dma_start3A_17 = arith.constant 0 : i32
    %dma_start3A_18 = tpu.memref_slice %arg3[%dma_start3A_16, %dma_start3A_17] : memref<10000x128xf32, #tpu.memory_space<hbm>> -> memref<10000x128xf32, #tpu.memory_space<hbm>>
    tpu.enqueue_indirect_dma source(%dma_start3A_18 : memref<10000x128xf32, #tpu.memory_space<hbm>>) target(%arg13 : memref<80x128xf32, #tpu.memory_space<vmem>>) offsets(%dma_start3A_15 : memref<80xi32, #tpu.memory_space<vmem>>) semaphore(%arg23 : memref<!tpu.dma_semaphore, #tpu.memory_space<semaphore_mem>>)
    %mul3A_19 = arith.constant 10000 : i32
    %mul3A_20 = arith.muli %add3A, %mul3A_19 : i32
    %dma_start3A_21 = arith.constant 0 : i32
    %dma_start3A_22 = tpu.memref_slice %arg4[%mul3A_20, %dma_start3A_21] : memref<320000x128xf32, #tpu.memory_space<hbm>> -> memref<80x128xf32, #tpu.memory_space<hbm>>
    %dma_start3A_23 = arith.constant 0 : i32
    %dma_start3A_24 = tpu.memref_slice %arg4[%mul3A_20, %dma_start3A_23] : memref<320000x128xf32, #tpu.memory_space<hbm>> -> memref<80x128xf32, #tpu.memory_space<hbm>>
    tpu.enqueue_dma source(%dma_start3A_24 : memref<80x128xf32, #tpu.memory_space<hbm>>) target(%arg14 : memref<80x128xf32, #tpu.memory_space<vmem>>) target_semaphore(%arg23 : memref<!tpu.dma_semaphore, #tpu.memory_space<semaphore_mem>>)
    %scan3A = arith.constant 0 : i32
    %scan3A_25 = arith.constant 125 : i32
    %scan3A_26 = arith.addi %scan3A, %scan3A_25 : i32
    %scan3A_27 = arith.constant 1 : i32
    scf.for %scan3A_32 = %scan3A to %scan3A_26 step %scan3A_27  : i32 {
      %mul3A_33 = arith.constant 1 : i32
      %mul3A_34 = arith.muli %scan3A_32, %mul3A_33 : i32
      %add3A_35 = arith.constant 0 : i32
      %add3A_36 = arith.addi %add3A_35, %mul3A_34 : i32
      %rem3A = arith.constant 25 : i32
      %rem3A_37 = arith.remsi %add3A_36, %rem3A : i32
      %add3A_38 = arith.constant 1 : i32
      %add3A_39 = arith.addi %add3A_36, %add3A_38 : i32
      %rem3A_40 = arith.constant 25 : i32
      %rem3A_41 = arith.remsi %add3A_39, %rem3A_40 : i32
      %dma_wait3A_42 = arith.constant 0 : i32
      %dma_wait3A_43 = tpu.memref_slice %arg17[%rem3A_37, %dma_wait3A_42] : memref<25x80xi32, #tpu.memory_space<vmem>> -> memref<1x80xi32, #tpu.memory_space<vmem>>
      %dma_wait3A_44 = tpu.memref_squeeze %dma_wait3A_43 : memref<1x80xi32, #tpu.memory_space<vmem>> -> memref<80xi32, #tpu.memory_space<vmem>>
      %dma_wait3A_45 = arith.constant 0 : i32
      %dma_wait3A_46 = arith.constant 0 : i32
      %dma_wait3A_47 = tpu.memref_slice %arg2[%dma_wait3A_45, %dma_wait3A_46] : memref<10000x128xf32, #tpu.memory_space<hbm>> -> memref<10000x128xf32, #tpu.memory_space<hbm>>
      tpu.wait_indirect_dma semaphore(%arg23 : memref<!tpu.dma_semaphore, #tpu.memory_space<semaphore_mem>>) src(%dma_wait3A_47 : memref<10000x128xf32, #tpu.memory_space<hbm>>) dst(%arg12 : memref<80x128xf32, #tpu.memory_space<vmem>>)
      %dma_wait3A_48 = arith.constant 0 : i32
      %dma_wait3A_49 = tpu.memref_slice %arg18[%rem3A_37, %dma_wait3A_48] : memref<25x80xi32, #tpu.memory_space<vmem>> -> memref<1x80xi32, #tpu.memory_space<vmem>>
      %dma_wait3A_50 = tpu.memref_squeeze %dma_wait3A_49 : memref<1x80xi32, #tpu.memory_space<vmem>> -> memref<80xi32, #tpu.memory_space<vmem>>
      %dma_wait3A_51 = arith.constant 0 : i32
      %dma_wait3A_52 = arith.constant 0 : i32
      %dma_wait3A_53 = tpu.memref_slice %arg3[%dma_wait3A_51, %dma_wait3A_52] : memref<10000x128xf32, #tpu.memory_space<hbm>> -> memref<10000x128xf32, #tpu.memory_space<hbm>>
      tpu.wait_indirect_dma semaphore(%arg23 : memref<!tpu.dma_semaphore, #tpu.memory_space<semaphore_mem>>) src(%dma_wait3A_53 : memref<10000x128xf32, #tpu.memory_space<hbm>>) dst(%arg13 : memref<80x128xf32, #tpu.memory_space<vmem>>)
      %mul3A_54 = arith.constant 10000 : i32
      %mul3A_55 = arith.muli %add3A, %mul3A_54 : i32
      %mul3A_56 = arith.constant 80 : i32
      %mul3A_57 = arith.muli %add3A_36, %mul3A_56 : i32
      %add3A_58 = arith.addi %mul3A_55, %mul3A_57 : i32
      %dma_wait3A_59 = arith.constant 0 : i32
      %dma_wait3A_60 = tpu.memref_slice %arg4[%add3A_58, %dma_wait3A_59] : memref<320000x128xf32, #tpu.memory_space<hbm>> -> memref<80x128xf32, #tpu.memory_space<hbm>>
      %dma_wait3A_61 = arith.constant 0 : i32
      %dma_wait3A_62 = tpu.memref_slice %arg4[%add3A_58, %dma_wait3A_61] : memref<320000x128xf32, #tpu.memory_space<hbm>> -> memref<80x128xf32, #tpu.memory_space<hbm>>
      tpu.wait_dma2 semaphore(%arg23 : memref<!tpu.dma_semaphore, #tpu.memory_space<semaphore_mem>>) src(%dma_wait3A_62 : memref<80x128xf32, #tpu.memory_space<hbm>>) dst(%arg14 : memref<80x128xf32, #tpu.memory_space<vmem>>)
      %gt3A = arith.constant 0 : i32
      %gt3A_63 = arith.cmpi sgt, %add3A_36, %gt3A : i32
      %convert_element_type3A = arith.extui %gt3A_63 : i1 to i32
      %cond3A = arith.constant 0 : i32
      %cond3A_64 = arith.cmpi ne, %convert_element_type3A, %cond3A : i32
      scf.if %cond3A_64 {
        %dma_wait3A_107 = arith.constant 0 : i32
        %dma_wait3A_108 = arith.constant 0 : i32
        %dma_wait3A_109 = tpu.memref_slice %arg21[%dma_wait3A_107, %dma_wait3A_108] : memref<10112x128xf32, #tpu.memory_space<vmem_shared>> -> memref<10112x128xf32, #tpu.memory_space<vmem_shared>>
        tpu.wait_indirect_dma semaphore(%arg24 : memref<!tpu.dma_semaphore, #tpu.memory_space<semaphore_mem>>) src(%arg15 : memref<80x128xf32, #tpu.memory_space<vmem>>) dst(%dma_wait3A_109 : memref<10112x128xf32, #tpu.memory_space<vmem_shared>>)
      } else {
      }
      %get3A = arith.index_cast %rem3A_37 : i32 to index
      %get3A_65 = arith.constant 0 : index
      %get3A_66 = tpu.vector_load %arg18[%get3A, %get3A_65] {strides = array<i32>} : memref<25x80xi32, #tpu.memory_space<vmem>>, vector<16xi32>,
      %swap3A = arith.constant 0 : index
      %swap3A_67 = tpu.vector_load %arg19[%swap3A] {strides = array<i32>} : memref<80xi32, #tpu.memory_space<vmem>>, vector<16xi32>,
      tpu.vector_store %arg19[%swap3A], %get3A_66 {strides = array<i32>} : memref<80xi32, #tpu.memory_space<vmem>>, vector<16xi32>,
      %get3A_68 = arith.index_cast %rem3A_37 : i32 to index
      %get3A_69 = arith.constant 16 : index
      %get3A_70 = tpu.vector_load %arg18[%get3A_68, %get3A_69] {strides = array<i32>} : memref<25x80xi32, #tpu.memory_space<vmem>>, vector<16xi32>,
      %swap3A_71 = arith.constant 16 : index
      %swap3A_72 = tpu.vector_load %arg19[%swap3A_71] {strides = array<i32>} : memref<80xi32, #tpu.memory_space<vmem>>, vector<16xi32>,
      tpu.vector_store %arg19[%swap3A_71], %get3A_70 {strides = array<i32>} : memref<80xi32, #tpu.memory_space<vmem>>, vector<16xi32>,
      %get3A_73 = arith.index_cast %rem3A_37 : i32 to index
      %get3A_74 = arith.constant 32 : index
      %get3A_75 = tpu.vector_load %arg18[%get3A_73, %get3A_74] {strides = array<i32>} : memref<25x80xi32, #tpu.memory_space<vmem>>, vector<16xi32>,
      %swap3A_76 = arith.constant 32 : index
      %swap3A_77 = tpu.vector_load %arg19[%swap3A_76] {strides = array<i32>} : memref<80xi32, #tpu.memory_space<vmem>>, vector<16xi32>,
      tpu.vector_store %arg19[%swap3A_76], %get3A_75 {strides = array<i32>} : memref<80xi32, #tpu.memory_space<vmem>>, vector<16xi32>,
      %get3A_78 = arith.index_cast %rem3A_37 : i32 to index
      %get3A_79 = arith.constant 48 : index
      %get3A_80 = tpu.vector_load %arg18[%get3A_78, %get3A_79] {strides = array<i32>} : memref<25x80xi32, #tpu.memory_space<vmem>>, vector<16xi32>,
      %swap3A_81 = arith.constant 48 : index
      %swap3A_82 = tpu.vector_load %arg19[%swap3A_81] {strides = array<i32>} : memref<80xi32, #tpu.memory_space<vmem>>, vector<16xi32>,
      tpu.vector_store %arg19[%swap3A_81], %get3A_80 {strides = array<i32>} : memref<80xi32, #tpu.memory_space<vmem>>, vector<16xi32>,
      %get3A_83 = arith.index_cast %rem3A_37 : i32 to index
      %get3A_84 = arith.constant 64 : index
      %get3A_85 = tpu.vector_load %arg18[%get3A_83, %get3A_84] {strides = array<i32>} : memref<25x80xi32, #tpu.memory_space<vmem>>, vector<16xi32>,
      %swap3A_86 = arith.constant 64 : index
      %swap3A_87 = tpu.vector_load %arg19[%swap3A_86] {strides = array<i32>} : memref<80xi32, #tpu.memory_space<vmem>>, vector<16xi32>,
      tpu.vector_store %arg19[%swap3A_86], %get3A_85 {strides = array<i32>} : memref<80xi32, #tpu.memory_space<vmem>>, vector<16xi32>,
      %eq3A = arith.constant 0 : i32
      %eq3A_88 = arith.cmpi eq, %rem3A_41, %eq3A : i32
      %add3A_89 = arith.constant 1 : i32
      %add3A_90 = arith.addi %add3A_36, %add3A_89 : i32
      %lt3A = arith.constant 125 : i32
      %lt3A_91 = arith.cmpi slt, %add3A_90, %lt3A : i32
      %and3A = arith.andi %eq3A_88, %lt3A_91 : i1
      %convert_element_type3A_92 = arith.extui %and3A : i1 to i32
      %cond3A_93 = arith.constant 0 : i32
      %cond3A_94 = arith.cmpi ne, %convert_element_type3A_92, %cond3A_93 : i32
      scf.if %cond3A_94 {
        %add3A_107 = arith.constant 1 : i32
        %add3A_108 = arith.addi %add3A_36, %add3A_107 : i32
        %div3A = arith.constant 25 : i32
        %div3A_109 = arith.divsi %add3A_108, %div3A : i32
        "tpu.region"() ({
          %run_scoped3A_110 = tpu.sem_alloc : memref<!tpu.dma_semaphore, #tpu.memory_space<semaphore_mem>>
          %dma_start3A_111 = arith.constant 0 : i32
          %dma_start3A_112 = arith.constant 0 : i32
          %dma_start3A_113 = tpu.memref_slice %arg5[%add3A, %div3A_109, %dma_start3A_111, %dma_start3A_112] : memref<32x5x25x80xi32, #tpu.memory_space<hbm>> -> memref<1x1x25x80xi32, #tpu.memory_space<hbm>>
          %dma_start3A_114 = tpu.memref_squeeze %dma_start3A_113 : memref<1x1x25x80xi32, #tpu.memory_space<hbm>> -> memref<25x80xi32, #tpu.memory_space<hbm>>
          %dma_start3A_115 = arith.constant 0 : i32
          %dma_start3A_116 = arith.constant 0 : i32
          %dma_start3A_117 = tpu.memref_slice %arg5[%add3A, %div3A_109, %dma_start3A_115, %dma_start3A_116] : memref<32x5x25x80xi32, #tpu.memory_space<hbm>> -> memref<1x1x25x80xi32, #tpu.memory_space<hbm>>
          %dma_start3A_118 = tpu.memref_squeeze %dma_start3A_117 : memref<1x1x25x80xi32, #tpu.memory_space<hbm>> -> memref<25x80xi32, #tpu.memory_space<hbm>>
          tpu.enqueue_dma source(%dma_start3A_118 : memref<25x80xi32, #tpu.memory_space<hbm>>) target(%arg17 : memref<25x80xi32, #tpu.memory_space<vmem>>) target_semaphore(%run_scoped3A_110 : memref<!tpu.dma_semaphore, #tpu.memory_space<semaphore_mem>>)
          %dma_wait3A_119 = arith.constant 0 : i32
          %dma_wait3A_120 = arith.constant 0 : i32
          %dma_wait3A_121 = tpu.memref_slice %arg5[%add3A, %div3A_109, %dma_wait3A_119, %dma_wait3A_120] : memref<32x5x25x80xi32, #tpu.memory_space<hbm>> -> memref<1x1x25x80xi32, #tpu.memory_space<hbm>>
          %dma_wait3A_122 = tpu.memref_squeeze %dma_wait3A_121 : memref<1x1x25x80xi32, #tpu.memory_space<hbm>> -> memref<25x80xi32, #tpu.memory_space<hbm>>
          %dma_wait3A_123 = arith.constant 0 : i32
          %dma_wait3A_124 = arith.constant 0 : i32
          %dma_wait3A_125 = tpu.memref_slice %arg5[%add3A, %div3A_109, %dma_wait3A_123, %dma_wait3A_124] : memref<32x5x25x80xi32, #tpu.memory_space<hbm>> -> memref<1x1x25x80xi32, #tpu.memory_space<hbm>>
          %dma_wait3A_126 = tpu.memref_squeeze %dma_wait3A_125 : memref<1x1x25x80xi32, #tpu.memory_space<hbm>> -> memref<25x80xi32, #tpu.memory_space<hbm>>
          tpu.wait_dma2 semaphore(%run_scoped3A_110 : memref<!tpu.dma_semaphore, #tpu.memory_space<semaphore_mem>>) src(%dma_wait3A_126 : memref<25x80xi32, #tpu.memory_space<hbm>>) dst(%arg17 : memref<25x80xi32, #tpu.memory_space<vmem>>)
          tpu.yield
        }) : () -> ()
        "tpu.region"() ({
          %run_scoped3A_110 = tpu.sem_alloc : memref<!tpu.dma_semaphore, #tpu.memory_space<semaphore_mem>>
          %dma_start3A_111 = arith.constant 0 : i32
          %dma_start3A_112 = arith.constant 0 : i32
          %dma_start3A_113 = tpu.memref_slice %arg6[%add3A, %div3A_109, %dma_start3A_111, %dma_start3A_112] : memref<32x5x25x80xi32, #tpu.memory_space<hbm>> -> memref<1x1x25x80xi32, #tpu.memory_space<hbm>>
          %dma_start3A_114 = tpu.memref_squeeze %dma_start3A_113 : memref<1x1x25x80xi32, #tpu.memory_space<hbm>> -> memref<25x80xi32, #tpu.memory_space<hbm>>
          %dma_start3A_115 = arith.constant 0 : i32
          %dma_start3A_116 = arith.constant 0 : i32
          %dma_start3A_117 = tpu.memref_slice %arg6[%add3A, %div3A_109, %dma_start3A_115, %dma_start3A_116] : memref<32x5x25x80xi32, #tpu.memory_space<hbm>> -> memref<1x1x25x80xi32, #tpu.memory_space<hbm>>
          %dma_start3A_118 = tpu.memref_squeeze %dma_start3A_117 : memref<1x1x25x80xi32, #tpu.memory_space<hbm>> -> memref<25x80xi32, #tpu.memory_space<hbm>>
          tpu.enqueue_dma source(%dma_start3A_118 : memref<25x80xi32, #tpu.memory_space<hbm>>) target(%arg18 : memref<25x80xi32, #tpu.memory_space<vmem>>) target_semaphore(%run_scoped3A_110 : memref<!tpu.dma_semaphore, #tpu.memory_space<semaphore_mem>>)
          %dma_wait3A_119 = arith.constant 0 : i32
          %dma_wait3A_120 = arith.constant 0 : i32
          %dma_wait3A_121 = tpu.memref_slice %arg6[%add3A, %div3A_109, %dma_wait3A_119, %dma_wait3A_120] : memref<32x5x25x80xi32, #tpu.memory_space<hbm>> -> memref<1x1x25x80xi32, #tpu.memory_space<hbm>>
          %dma_wait3A_122 = tpu.memref_squeeze %dma_wait3A_121 : memref<1x1x25x80xi32, #tpu.memory_space<hbm>> -> memref<25x80xi32, #tpu.memory_space<hbm>>
          %dma_wait3A_123 = arith.constant 0 : i32
          %dma_wait3A_124 = arith.constant 0 : i32
          %dma_wait3A_125 = tpu.memref_slice %arg6[%add3A, %div3A_109, %dma_wait3A_123, %dma_wait3A_124] : memref<32x5x25x80xi32, #tpu.memory_space<hbm>> -> memref<1x1x25x80xi32, #tpu.memory_space<hbm>>
          %dma_wait3A_126 = tpu.memref_squeeze %dma_wait3A_125 : memref<1x1x25x80xi32, #tpu.memory_space<hbm>> -> memref<25x80xi32, #tpu.memory_space<hbm>>
          tpu.wait_dma2 semaphore(%run_scoped3A_110 : memref<!tpu.dma_semaphore, #tpu.memory_space<semaphore_mem>>) src(%dma_wait3A_126 : memref<25x80xi32, #tpu.memory_space<hbm>>) dst(%arg18 : memref<25x80xi32, #tpu.memory_space<vmem>>)
          tpu.yield
        }) : () -> ()
      } else {
      }
      %parallel_loop3A = arith.constant 0 : i32
      %parallel_loop3A_95 = arith.constant 80 : i32
      %parallel_loop3A_96 = arith.constant 1 : i32
      scf.for %parallel_loop3A_107 = %parallel_loop3A to %parallel_loop3A_95 step %parallel_loop3A_96  : i32 {
        %parallel_loop3A_108 = arith.constant 0.000000e+00 : f32
        %parallel_loop3A_109 = vector.broadcast %parallel_loop3A_108 : f32 to vector<16xf32>
        %parallel_loop3A_110 = arith.index_cast %parallel_loop3A_107 : i32 to index
        %parallel_loop3A_111 = arith.constant 0 : index
        %parallel_loop3A_112 = tpu.vector_load %arg12[%parallel_loop3A_110, %parallel_loop3A_111] {strides = array<i32>} : memref<80x128xf32, #tpu.memory_space<vmem>>, vector<16xf32>,
        %parallel_loop3A_113 = arith.index_cast %parallel_loop3A_107 : i32 to index
        %parallel_loop3A_114 = arith.constant 0 : index
        %parallel_loop3A_115 = tpu.vector_load %arg13[%parallel_loop3A_113, %parallel_loop3A_114] {strides = array<i32>} : memref<80x128xf32, #tpu.memory_space<vmem>>, vector<16xf32>,
        %parallel_loop3A_116 = arith.index_cast %parallel_loop3A_107 : i32 to index
        %parallel_loop3A_117 = arith.constant 0 : index
        %parallel_loop3A_118 = tpu.vector_load %arg14[%parallel_loop3A_116, %parallel_loop3A_117] {strides = array<i32>} : memref<80x128xf32, #tpu.memory_space<vmem>>, vector<16xf32>,
        %parallel_loop3A_119 = arith.addf %parallel_loop3A_112, %parallel_loop3A_115 : vector<16xf32>
        %parallel_loop3A_120 = arith.addf %parallel_loop3A_119, %parallel_loop3A_118 : vector<16xf32>
        %parallel_loop3A_121 = arith.constant 2.000000e-01 : f32
        %parallel_loop3A_122 = vector.broadcast %parallel_loop3A_121 : f32 to vector<16xf32>
        %parallel_loop3A_123 = arith.mulf %parallel_loop3A_122, %parallel_loop3A_120 : vector<16xf32>
        %parallel_loop3A_124 = arith.maximumf %parallel_loop3A_120, %parallel_loop3A_123 : vector<16xf32>
        %parallel_loop3A_125 = arith.constant 0 : index
        %parallel_loop3A_126 = tpu.vector_load %arg20[%parallel_loop3A_125] {strides = array<i32>} : memref<128xf32, #tpu.memory_space<vmem>>, vector<16xf32>,
        %parallel_loop3A_127 = arith.mulf %parallel_loop3A_124, %parallel_loop3A_126 : vector<16xf32>
        %parallel_loop3A_128 = arith.addf %parallel_loop3A_109, %parallel_loop3A_127 : vector<16xf32>
        %parallel_loop3A_129 = arith.index_cast %parallel_loop3A_107 : i32 to index
        %parallel_loop3A_130 = arith.constant 16 : index
        %parallel_loop3A_131 = tpu.vector_load %arg12[%parallel_loop3A_129, %parallel_loop3A_130] {strides = array<i32>} : memref<80x128xf32, #tpu.memory_space<vmem>>, vector<16xf32>,
        %parallel_loop3A_132 = arith.index_cast %parallel_loop3A_107 : i32 to index
        %parallel_loop3A_133 = arith.constant 16 : index
        %parallel_loop3A_134 = tpu.vector_load %arg13[%parallel_loop3A_132, %parallel_loop3A_133] {strides = array<i32>} : memref<80x128xf32, #tpu.memory_space<vmem>>, vector<16xf32>,
        %parallel_loop3A_135 = arith.index_cast %parallel_loop3A_107 : i32 to index
        %parallel_loop3A_136 = arith.constant 16 : index
        %parallel_loop3A_137 = tpu.vector_load %arg14[%parallel_loop3A_135, %parallel_loop3A_136] {strides = array<i32>} : memref<80x128xf32, #tpu.memory_space<vmem>>, vector<16xf32>,
        %parallel_loop3A_138 = arith.addf %parallel_loop3A_131, %parallel_loop3A_134 : vector<16xf32>
        %parallel_loop3A_139 = arith.addf %parallel_loop3A_138, %parallel_loop3A_137 : vector<16xf32>
        %parallel_loop3A_140 = arith.constant 2.000000e-01 : f32
        %parallel_loop3A_141 = vector.broadcast %parallel_loop3A_140 : f32 to vector<16xf32>
        %parallel_loop3A_142 = arith.mulf %parallel_loop3A_141, %parallel_loop3A_139 : vector<16xf32>
        %parallel_loop3A_143 = arith.maximumf %parallel_loop3A_139, %parallel_loop3A_142 : vector<16xf32>
        %parallel_loop3A_144 = arith.constant 16 : index
        %parallel_loop3A_145 = tpu.vector_load %arg20[%parallel_loop3A_144] {strides = array<i32>} : memref<128xf32, #tpu.memory_space<vmem>>, vector<16xf32>,
        %parallel_loop3A_146 = arith.mulf %parallel_loop3A_143, %parallel_loop3A_145 : vector<16xf32>
        %parallel_loop3A_147 = arith.addf %parallel_loop3A_128, %parallel_loop3A_146 : vector<16xf32>
        %parallel_loop3A_148 = arith.index_cast %parallel_loop3A_107 : i32 to index
        %parallel_loop3A_149 = arith.constant 32 : index
        %parallel_loop3A_150 = tpu.vector_load %arg12[%parallel_loop3A_148, %parallel_loop3A_149] {strides = array<i32>} : memref<80x128xf32, #tpu.memory_space<vmem>>, vector<16xf32>,
        %parallel_loop3A_151 = arith.index_cast %parallel_loop3A_107 : i32 to index
        %parallel_loop3A_152 = arith.constant 32 : index
        %parallel_loop3A_153 = tpu.vector_load %arg13[%parallel_loop3A_151, %parallel_loop3A_152] {strides = array<i32>} : memref<80x128xf32, #tpu.memory_space<vmem>>, vector<16xf32>,
        %parallel_loop3A_154 = arith.index_cast %parallel_loop3A_107 : i32 to index
        %parallel_loop3A_155 = arith.constant 32 : index
        %parallel_loop3A_156 = tpu.vector_load %arg14[%parallel_loop3A_154, %parallel_loop3A_155] {strides = array<i32>} : memref<80x128xf32, #tpu.memory_space<vmem>>, vector<16xf32>,
        %parallel_loop3A_157 = arith.addf %parallel_loop3A_150, %parallel_loop3A_153 : vector<16xf32>
        %parallel_loop3A_158 = arith.addf %parallel_loop3A_157, %parallel_loop3A_156 : vector<16xf32>
        %parallel_loop3A_159 = arith.constant 2.000000e-01 : f32
        %parallel_loop3A_160 = vector.broadcast %parallel_loop3A_159 : f32 to vector<16xf32>
        %parallel_loop3A_161 = arith.mulf %parallel_loop3A_160, %parallel_loop3A_158 : vector<16xf32>
        %parallel_loop3A_162 = arith.maximumf %parallel_loop3A_158, %parallel_loop3A_161 : vector<16xf32>
        %parallel_loop3A_163 = arith.constant 32 : index
        %parallel_loop3A_164 = tpu.vector_load %arg20[%parallel_loop3A_163] {strides = array<i32>} : memref<128xf32, #tpu.memory_space<vmem>>, vector<16xf32>,
        %parallel_loop3A_165 = arith.mulf %parallel_loop3A_162, %parallel_loop3A_164 : vector<16xf32>
        %parallel_loop3A_166 = arith.addf %parallel_loop3A_147, %parallel_loop3A_165 : vector<16xf32>
        %parallel_loop3A_167 = arith.index_cast %parallel_loop3A_107 : i32 to index
        %parallel_loop3A_168 = arith.constant 48 : index
        %parallel_loop3A_169 = tpu.vector_load %arg12[%parallel_loop3A_167, %parallel_loop3A_168] {strides = array<i32>} : memref<80x128xf32, #tpu.memory_space<vmem>>, vector<16xf32>,
        %parallel_loop3A_170 = arith.index_cast %parallel_loop3A_107 : i32 to index
        %parallel_loop3A_171 = arith.constant 48 : index
        %parallel_loop3A_172 = tpu.vector_load %arg13[%parallel_loop3A_170, %parallel_loop3A_171] {strides = array<i32>} : memref<80x128xf32, #tpu.memory_space<vmem>>, vector<16xf32>,
        %parallel_loop3A_173 = arith.index_cast %parallel_loop3A_107 : i32 to index
        %parallel_loop3A_174 = arith.constant 48 : index
        %parallel_loop3A_175 = tpu.vector_load %arg14[%parallel_loop3A_173, %parallel_loop3A_174] {strides = array<i32>} : memref<80x128xf32, #tpu.memory_space<vmem>>, vector<16xf32>,
        %parallel_loop3A_176 = arith.addf %parallel_loop3A_169, %parallel_loop3A_172 : vector<16xf32>
        %parallel_loop3A_177 = arith.addf %parallel_loop3A_176, %parallel_loop3A_175 : vector<16xf32>
        %parallel_loop3A_178 = arith.constant 2.000000e-01 : f32
        %parallel_loop3A_179 = vector.broadcast %parallel_loop3A_178 : f32 to vector<16xf32>
        %parallel_loop3A_180 = arith.mulf %parallel_loop3A_179, %parallel_loop3A_177 : vector<16xf32>
        %parallel_loop3A_181 = arith.maximumf %parallel_loop3A_177, %parallel_loop3A_180 : vector<16xf32>
        %parallel_loop3A_182 = arith.constant 48 : index
        %parallel_loop3A_183 = tpu.vector_load %arg20[%parallel_loop3A_182] {strides = array<i32>} : memref<128xf32, #tpu.memory_space<vmem>>, vector<16xf32>,
        %parallel_loop3A_184 = arith.mulf %parallel_loop3A_181, %parallel_loop3A_183 : vector<16xf32>
        %parallel_loop3A_185 = arith.addf %parallel_loop3A_166, %parallel_loop3A_184 : vector<16xf32>
        %parallel_loop3A_186 = arith.index_cast %parallel_loop3A_107 : i32 to index
        %parallel_loop3A_187 = arith.constant 64 : index
        %parallel_loop3A_188 = tpu.vector_load %arg12[%parallel_loop3A_186, %parallel_loop3A_187] {strides = array<i32>} : memref<80x128xf32, #tpu.memory_space<vmem>>, vector<16xf32>,
        %parallel_loop3A_189 = arith.index_cast %parallel_loop3A_107 : i32 to index
        %parallel_loop3A_190 = arith.constant 64 : index
        %parallel_loop3A_191 = tpu.vector_load %arg13[%parallel_loop3A_189, %parallel_loop3A_190] {strides = array<i32>} : memref<80x128xf32, #tpu.memory_space<vmem>>, vector<16xf32>,
        %parallel_loop3A_192 = arith.index_cast %parallel_loop3A_107 : i32 to index
        %parallel_loop3A_193 = arith.constant 64 : index
        %parallel_loop3A_194 = tpu.vector_load %arg14[%parallel_loop3A_192, %parallel_loop3A_193] {strides = array<i32>} : memref<80x128xf32, #tpu.memory_space<vmem>>, vector<16xf32>,
        %parallel_loop3A_195 = arith.addf %parallel_loop3A_188, %parallel_loop3A_191 : vector<16xf32>
        %parallel_loop3A_196 = arith.addf %parallel_loop3A_195, %parallel_loop3A_194 : vector<16xf32>
        %parallel_loop3A_197 = arith.constant 2.000000e-01 : f32
        %parallel_loop3A_198 = vector.broadcast %parallel_loop3A_197 : f32 to vector<16xf32>
        %parallel_loop3A_199 = arith.mulf %parallel_loop3A_198, %parallel_loop3A_196 : vector<16xf32>
        %parallel_loop3A_200 = arith.maximumf %parallel_loop3A_196, %parallel_loop3A_199 : vector<16xf32>
        %parallel_loop3A_201 = arith.constant 64 : index
        %parallel_loop3A_202 = tpu.vector_load %arg20[%parallel_loop3A_201] {strides = array<i32>} : memref<128xf32, #tpu.memory_space<vmem>>, vector<16xf32>,
        %parallel_loop3A_203 = arith.mulf %parallel_loop3A_200, %parallel_loop3A_202 : vector<16xf32>
        %parallel_loop3A_204 = arith.addf %parallel_loop3A_185, %parallel_loop3A_203 : vector<16xf32>
        %parallel_loop3A_205 = arith.index_cast %parallel_loop3A_107 : i32 to index
        %parallel_loop3A_206 = arith.constant 80 : index
        %parallel_loop3A_207 = tpu.vector_load %arg12[%parallel_loop3A_205, %parallel_loop3A_206] {strides = array<i32>} : memref<80x128xf32, #tpu.memory_space<vmem>>, vector<16xf32>,
        %parallel_loop3A_208 = arith.index_cast %parallel_loop3A_107 : i32 to index
        %parallel_loop3A_209 = arith.constant 80 : index
        %parallel_loop3A_210 = tpu.vector_load %arg13[%parallel_loop3A_208, %parallel_loop3A_209] {strides = array<i32>} : memref<80x128xf32, #tpu.memory_space<vmem>>, vector<16xf32>,
        %parallel_loop3A_211 = arith.index_cast %parallel_loop3A_107 : i32 to index
        %parallel_loop3A_212 = arith.constant 80 : index
        %parallel_loop3A_213 = tpu.vector_load %arg14[%parallel_loop3A_211, %parallel_loop3A_212] {strides = array<i32>} : memref<80x128xf32, #tpu.memory_space<vmem>>, vector<16xf32>,
        %parallel_loop3A_214 = arith.addf %parallel_loop3A_207, %parallel_loop3A_210 : vector<16xf32>
        %parallel_loop3A_215 = arith.addf %parallel_loop3A_214, %parallel_loop3A_213 : vector<16xf32>
        %parallel_loop3A_216 = arith.constant 2.000000e-01 : f32
        %parallel_loop3A_217 = vector.broadcast %parallel_loop3A_216 : f32 to vector<16xf32>
        %parallel_loop3A_218 = arith.mulf %parallel_loop3A_217, %parallel_loop3A_215 : vector<16xf32>
        %parallel_loop3A_219 = arith.maximumf %parallel_loop3A_215, %parallel_loop3A_218 : vector<16xf32>
        %parallel_loop3A_220 = arith.constant 80 : index
        %parallel_loop3A_221 = tpu.vector_load %arg20[%parallel_loop3A_220] {strides = array<i32>} : memref<128xf32, #tpu.memory_space<vmem>>, vector<16xf32>,
        %parallel_loop3A_222 = arith.mulf %parallel_loop3A_219, %parallel_loop3A_221 : vector<16xf32>
        %parallel_loop3A_223 = arith.addf %parallel_loop3A_204, %parallel_loop3A_222 : vector<16xf32>
        %parallel_loop3A_224 = arith.index_cast %parallel_loop3A_107 : i32 to index
        %parallel_loop3A_225 = arith.constant 96 : index
        %parallel_loop3A_226 = tpu.vector_load %arg12[%parallel_loop3A_224, %parallel_loop3A_225] {strides = array<i32>} : memref<80x128xf32, #tpu.memory_space<vmem>>, vector<16xf32>,
        %parallel_loop3A_227 = arith.index_cast %parallel_loop3A_107 : i32 to index
        %parallel_loop3A_228 = arith.constant 96 : index
        %parallel_loop3A_229 = tpu.vector_load %arg13[%parallel_loop3A_227, %parallel_loop3A_228] {strides = array<i32>} : memref<80x128xf32, #tpu.memory_space<vmem>>, vector<16xf32>,
        %parallel_loop3A_230 = arith.index_cast %parallel_loop3A_107 : i32 to index
        %parallel_loop3A_231 = arith.constant 96 : index
        %parallel_loop3A_232 = tpu.vector_load %arg14[%parallel_loop3A_230, %parallel_loop3A_231] {strides = array<i32>} : memref<80x128xf32, #tpu.memory_space<vmem>>, vector<16xf32>,
        %parallel_loop3A_233 = arith.addf %parallel_loop3A_226, %parallel_loop3A_229 : vector<16xf32>
        %parallel_loop3A_234 = arith.addf %parallel_loop3A_233, %parallel_loop3A_232 : vector<16xf32>
        %parallel_loop3A_235 = arith.constant 2.000000e-01 : f32
        %parallel_loop3A_236 = vector.broadcast %parallel_loop3A_235 : f32 to vector<16xf32>
        %parallel_loop3A_237 = arith.mulf %parallel_loop3A_236, %parallel_loop3A_234 : vector<16xf32>
        %parallel_loop3A_238 = arith.maximumf %parallel_loop3A_234, %parallel_loop3A_237 : vector<16xf32>
        %parallel_loop3A_239 = arith.constant 96 : index
        %parallel_loop3A_240 = tpu.vector_load %arg20[%parallel_loop3A_239] {strides = array<i32>} : memref<128xf32, #tpu.memory_space<vmem>>, vector<16xf32>,
        %parallel_loop3A_241 = arith.mulf %parallel_loop3A_238, %parallel_loop3A_240 : vector<16xf32>
        %parallel_loop3A_242 = arith.addf %parallel_loop3A_223, %parallel_loop3A_241 : vector<16xf32>
        %parallel_loop3A_243 = arith.index_cast %parallel_loop3A_107 : i32 to index
        %parallel_loop3A_244 = arith.constant 112 : index
        %parallel_loop3A_245 = tpu.vector_load %arg12[%parallel_loop3A_243, %parallel_loop3A_244] {strides = array<i32>} : memref<80x128xf32, #tpu.memory_space<vmem>>, vector<16xf32>,
        %parallel_loop3A_246 = arith.index_cast %parallel_loop3A_107 : i32 to index
        %parallel_loop3A_247 = arith.constant 112 : index
        %parallel_loop3A_248 = tpu.vector_load %arg13[%parallel_loop3A_246, %parallel_loop3A_247] {strides = array<i32>} : memref<80x128xf32, #tpu.memory_space<vmem>>, vector<16xf32>,
        %parallel_loop3A_249 = arith.index_cast %parallel_loop3A_107 : i32 to index
        %parallel_loop3A_250 = arith.constant 112 : index
        %parallel_loop3A_251 = tpu.vector_load %arg14[%parallel_loop3A_249, %parallel_loop3A_250] {strides = array<i32>} : memref<80x128xf32, #tpu.memory_space<vmem>>, vector<16xf32>,
        %parallel_loop3A_252 = arith.addf %parallel_loop3A_245, %parallel_loop3A_248 : vector<16xf32>
        %parallel_loop3A_253 = arith.addf %parallel_loop3A_252, %parallel_loop3A_251 : vector<16xf32>
        %parallel_loop3A_254 = arith.constant 2.000000e-01 : f32
        %parallel_loop3A_255 = vector.broadcast %parallel_loop3A_254 : f32 to vector<16xf32>
        %parallel_loop3A_256 = arith.mulf %parallel_loop3A_255, %parallel_loop3A_253 : vector<16xf32>
        %parallel_loop3A_257 = arith.maximumf %parallel_loop3A_253, %parallel_loop3A_256 : vector<16xf32>
        %parallel_loop3A_258 = arith.constant 112 : index
        %parallel_loop3A_259 = tpu.vector_load %arg20[%parallel_loop3A_258] {strides = array<i32>} : memref<128xf32, #tpu.memory_space<vmem>>, vector<16xf32>,
        %parallel_loop3A_260 = arith.mulf %parallel_loop3A_257, %parallel_loop3A_259 : vector<16xf32>
        %parallel_loop3A_261 = arith.addf %parallel_loop3A_242, %parallel_loop3A_260 : vector<16xf32>
        %parallel_loop3A_262 = arith.constant true
        %parallel_loop3A_263 = vector.broadcast %parallel_loop3A_262 : i1 to vector<16xi1>
        %parallel_loop3A_264 = tpu.scan <sum>, %parallel_loop3A_261 masked %parallel_loop3A_263 : vector<16xf32>, vector<16xi1> -> vector<16xf32>
        %parallel_loop3A_265 = vector.extract %parallel_loop3A_264[15] : f32 from vector<16xf32>
        %parallel_loop3A_266 = vector.broadcast %parallel_loop3A_265 : f32 to vector<16xf32>
        %parallel_loop3A_267 = math.exp %parallel_loop3A_266 : vector<16xf32>
        %parallel_loop3A_268 = vector.broadcast %parallel_loop3A_107 : i32 to vector<16xi32>
        %parallel_loop3A_269 = arith.constant 0 : i32
        %parallel_loop3A_270 = vector.broadcast %parallel_loop3A_269 : i32 to vector<16xi32>
        %parallel_loop3A_271 = arith.cmpi eq, %iota3A, %parallel_loop3A_270 : vector<16xi32>
        tpu.vector_store_idx %arg16[%parallel_loop3A_268], %parallel_loop3A_267 masked %parallel_loop3A_271 : memref<80xf32, #tpu.memory_space<vmem>>[vector<16xi32>], vector<16xf32>, vector<16xi1>
        %parallel_loop3A_272 = arith.index_cast %parallel_loop3A_107 : i32 to index
        %parallel_loop3A_273 = arith.constant 0 : index
        %parallel_loop3A_274 = tpu.vector_load %arg12[%parallel_loop3A_272, %parallel_loop3A_273] {strides = array<i32>} : memref<80x128xf32, #tpu.memory_space<vmem>>, vector<16xf32>,
        %parallel_loop3A_275 = arith.mulf %parallel_loop3A_274, %parallel_loop3A_267 : vector<16xf32>
        %parallel_loop3A_276 = arith.index_cast %parallel_loop3A_107 : i32 to index
        %parallel_loop3A_277 = arith.constant 0 : index
        %parallel_loop3A_278 = tpu.vector_load %arg15[%parallel_loop3A_276, %parallel_loop3A_277] {strides = array<i32>} : memref<80x128xf32, #tpu.memory_space<vmem>>, vector<16xf32>,
        tpu.vector_store %arg15[%parallel_loop3A_276, %parallel_loop3A_277], %parallel_loop3A_275 {strides = array<i32>} : memref<80x128xf32, #tpu.memory_space<vmem>>, vector<16xf32>,
        %parallel_loop3A_279 = arith.index_cast %parallel_loop3A_107 : i32 to index
        %parallel_loop3A_280 = arith.constant 16 : index
        %parallel_loop3A_281 = tpu.vector_load %arg12[%parallel_loop3A_279, %parallel_loop3A_280] {strides = array<i32>} : memref<80x128xf32, #tpu.memory_space<vmem>>, vector<16xf32>,
        %parallel_loop3A_282 = arith.mulf %parallel_loop3A_281, %parallel_loop3A_267 : vector<16xf32>
        %parallel_loop3A_283 = arith.index_cast %parallel_loop3A_107 : i32 to index
        %parallel_loop3A_284 = arith.constant 16 : index
        %parallel_loop3A_285 = tpu.vector_load %arg15[%parallel_loop3A_283, %parallel_loop3A_284] {strides = array<i32>} : memref<80x128xf32, #tpu.memory_space<vmem>>, vector<16xf32>,
        tpu.vector_store %arg15[%parallel_loop3A_283, %parallel_loop3A_284], %parallel_loop3A_282 {strides = array<i32>} : memref<80x128xf32, #tpu.memory_space<vmem>>, vector<16xf32>,
        %parallel_loop3A_286 = arith.index_cast %parallel_loop3A_107 : i32 to index
        %parallel_loop3A_287 = arith.constant 32 : index
        %parallel_loop3A_288 = tpu.vector_load %arg12[%parallel_loop3A_286, %parallel_loop3A_287] {strides = array<i32>} : memref<80x128xf32, #tpu.memory_space<vmem>>, vector<16xf32>,
        %parallel_loop3A_289 = arith.mulf %parallel_loop3A_288, %parallel_loop3A_267 : vector<16xf32>
        %parallel_loop3A_290 = arith.index_cast %parallel_loop3A_107 : i32 to index
        %parallel_loop3A_291 = arith.constant 32 : index
        %parallel_loop3A_292 = tpu.vector_load %arg15[%parallel_loop3A_290, %parallel_loop3A_291] {strides = array<i32>} : memref<80x128xf32, #tpu.memory_space<vmem>>, vector<16xf32>,
        tpu.vector_store %arg15[%parallel_loop3A_290, %parallel_loop3A_291], %parallel_loop3A_289 {strides = array<i32>} : memref<80x128xf32, #tpu.memory_space<vmem>>, vector<16xf32>,
        %parallel_loop3A_293 = arith.index_cast %parallel_loop3A_107 : i32 to index
        %parallel_loop3A_294 = arith.constant 48 : index
        %parallel_loop3A_295 = tpu.vector_load %arg12[%parallel_loop3A_293, %parallel_loop3A_294] {strides = array<i32>} : memref<80x128xf32, #tpu.memory_space<vmem>>, vector<16xf32>,
        %parallel_loop3A_296 = arith.mulf %parallel_loop3A_295, %parallel_loop3A_267 : vector<16xf32>
        %parallel_loop3A_297 = arith.index_cast %parallel_loop3A_107 : i32 to index
        %parallel_loop3A_298 = arith.constant 48 : index
        %parallel_loop3A_299 = tpu.vector_load %arg15[%parallel_loop3A_297, %parallel_loop3A_298] {strides = array<i32>} : memref<80x128xf32, #tpu.memory_space<vmem>>, vector<16xf32>,
        tpu.vector_store %arg15[%parallel_loop3A_297, %parallel_loop3A_298], %parallel_loop3A_296 {strides = array<i32>} : memref<80x128xf32, #tpu.memory_space<vmem>>, vector<16xf32>,
        %parallel_loop3A_300 = arith.index_cast %parallel_loop3A_107 : i32 to index
        %parallel_loop3A_301 = arith.constant 64 : index
        %parallel_loop3A_302 = tpu.vector_load %arg12[%parallel_loop3A_300, %parallel_loop3A_301] {strides = array<i32>} : memref<80x128xf32, #tpu.memory_space<vmem>>, vector<16xf32>,
        %parallel_loop3A_303 = arith.mulf %parallel_loop3A_302, %parallel_loop3A_267 : vector<16xf32>
        %parallel_loop3A_304 = arith.index_cast %parallel_loop3A_107 : i32 to index
        %parallel_loop3A_305 = arith.constant 64 : index
        %parallel_loop3A_306 = tpu.vector_load %arg15[%parallel_loop3A_304, %parallel_loop3A_305] {strides = array<i32>} : memref<80x128xf32, #tpu.memory_space<vmem>>, vector<16xf32>,
        tpu.vector_store %arg15[%parallel_loop3A_304, %parallel_loop3A_305], %parallel_loop3A_303 {strides = array<i32>} : memref<80x128xf32, #tpu.memory_space<vmem>>, vector<16xf32>,
        %parallel_loop3A_307 = arith.index_cast %parallel_loop3A_107 : i32 to index
        %parallel_loop3A_308 = arith.constant 80 : index
        %parallel_loop3A_309 = tpu.vector_load %arg12[%parallel_loop3A_307, %parallel_loop3A_308] {strides = array<i32>} : memref<80x128xf32, #tpu.memory_space<vmem>>, vector<16xf32>,
        %parallel_loop3A_310 = arith.mulf %parallel_loop3A_309, %parallel_loop3A_267 : vector<16xf32>
        %parallel_loop3A_311 = arith.index_cast %parallel_loop3A_107 : i32 to index
        %parallel_loop3A_312 = arith.constant 80 : index
        %parallel_loop3A_313 = tpu.vector_load %arg15[%parallel_loop3A_311, %parallel_loop3A_312] {strides = array<i32>} : memref<80x128xf32, #tpu.memory_space<vmem>>, vector<16xf32>,
        tpu.vector_store %arg15[%parallel_loop3A_311, %parallel_loop3A_312], %parallel_loop3A_310 {strides = array<i32>} : memref<80x128xf32, #tpu.memory_space<vmem>>, vector<16xf32>,
        %parallel_loop3A_314 = arith.index_cast %parallel_loop3A_107 : i32 to index
        %parallel_loop3A_315 = arith.constant 96 : index
        %parallel_loop3A_316 = tpu.vector_load %arg12[%parallel_loop3A_314, %parallel_loop3A_315] {strides = array<i32>} : memref<80x128xf32, #tpu.memory_space<vmem>>, vector<16xf32>,
        %parallel_loop3A_317 = arith.mulf %parallel_loop3A_316, %parallel_loop3A_267 : vector<16xf32>
        %parallel_loop3A_318 = arith.index_cast %parallel_loop3A_107 : i32 to index
        %parallel_loop3A_319 = arith.constant 96 : index
        %parallel_loop3A_320 = tpu.vector_load %arg15[%parallel_loop3A_318, %parallel_loop3A_319] {strides = array<i32>} : memref<80x128xf32, #tpu.memory_space<vmem>>, vector<16xf32>,
        tpu.vector_store %arg15[%parallel_loop3A_318, %parallel_loop3A_319], %parallel_loop3A_317 {strides = array<i32>} : memref<80x128xf32, #tpu.memory_space<vmem>>, vector<16xf32>,
        %parallel_loop3A_321 = arith.index_cast %parallel_loop3A_107 : i32 to index
        %parallel_loop3A_322 = arith.constant 112 : index
        %parallel_loop3A_323 = tpu.vector_load %arg12[%parallel_loop3A_321, %parallel_loop3A_322] {strides = array<i32>} : memref<80x128xf32, #tpu.memory_space<vmem>>, vector<16xf32>,
        %parallel_loop3A_324 = arith.mulf %parallel_loop3A_323, %parallel_loop3A_267 : vector<16xf32>
        %parallel_loop3A_325 = arith.index_cast %parallel_loop3A_107 : i32 to index
        %parallel_loop3A_326 = arith.constant 112 : index
        %parallel_loop3A_327 = tpu.vector_load %arg15[%parallel_loop3A_325, %parallel_loop3A_326] {strides = array<i32>} : memref<80x128xf32, #tpu.memory_space<vmem>>, vector<16xf32>,
        tpu.vector_store %arg15[%parallel_loop3A_325, %parallel_loop3A_326], %parallel_loop3A_324 {strides = array<i32>} : memref<80x128xf32, #tpu.memory_space<vmem>>, vector<16xf32>,
      } {sc.loop_unroll_factor = 2 : i64, sc.parallel_access}
      %add3A_97 = arith.constant 1 : i32
      %add3A_98 = arith.addi %add3A_36, %add3A_97 : i32
      %lt3A_99 = arith.constant 125 : i32
      %lt3A_100 = arith.cmpi slt, %add3A_98, %lt3A_99 : i32
      %convert_element_type3A_101 = arith.extui %lt3A_100 : i1 to i32
      %cond3A_102 = arith.constant 0 : i32
      %cond3A_103 = arith.cmpi ne, %convert_element_type3A_101, %cond3A_102 : i32
      scf.if %cond3A_103 {
        %dma_start3A_107 = arith.constant 0 : i32
        %dma_start3A_108 = tpu.memref_slice %arg17[%rem3A_41, %dma_start3A_107] : memref<25x80xi32, #tpu.memory_space<vmem>> -> memref<1x80xi32, #tpu.memory_space<vmem>>
        %dma_start3A_109 = tpu.memref_squeeze %dma_start3A_108 : memref<1x80xi32, #tpu.memory_space<vmem>> -> memref<80xi32, #tpu.memory_space<vmem>>
        %dma_start3A_110 = arith.constant 0 : i32
        %dma_start3A_111 = arith.constant 0 : i32
        %dma_start3A_112 = tpu.memref_slice %arg2[%dma_start3A_110, %dma_start3A_111] : memref<10000x128xf32, #tpu.memory_space<hbm>> -> memref<10000x128xf32, #tpu.memory_space<hbm>>
        tpu.enqueue_indirect_dma source(%dma_start3A_112 : memref<10000x128xf32, #tpu.memory_space<hbm>>) target(%arg12 : memref<80x128xf32, #tpu.memory_space<vmem>>) offsets(%dma_start3A_109 : memref<80xi32, #tpu.memory_space<vmem>>) semaphore(%arg23 : memref<!tpu.dma_semaphore, #tpu.memory_space<semaphore_mem>>)
        %dma_start3A_113 = arith.constant 0 : i32
        %dma_start3A_114 = tpu.memref_slice %arg18[%rem3A_41, %dma_start3A_113] : memref<25x80xi32, #tpu.memory_space<vmem>> -> memref<1x80xi32, #tpu.memory_space<vmem>>
        %dma_start3A_115 = tpu.memref_squeeze %dma_start3A_114 : memref<1x80xi32, #tpu.memory_space<vmem>> -> memref<80xi32, #tpu.memory_space<vmem>>
        %dma_start3A_116 = arith.constant 0 : i32
        %dma_start3A_117 = arith.constant 0 : i32
        %dma_start3A_118 = tpu.memref_slice %arg3[%dma_start3A_116, %dma_start3A_117] : memref<10000x128xf32, #tpu.memory_space<hbm>> -> memref<10000x128xf32, #tpu.memory_space<hbm>>
        tpu.enqueue_indirect_dma source(%dma_start3A_118 : memref<10000x128xf32, #tpu.memory_space<hbm>>) target(%arg13 : memref<80x128xf32, #tpu.memory_space<vmem>>) offsets(%dma_start3A_115 : memref<80xi32, #tpu.memory_space<vmem>>) semaphore(%arg23 : memref<!tpu.dma_semaphore, #tpu.memory_space<semaphore_mem>>)
        %mul3A_119 = arith.constant 10000 : i32
        %mul3A_120 = arith.muli %add3A, %mul3A_119 : i32
        %add3A_121 = arith.constant 1 : i32
        %add3A_122 = arith.addi %add3A_36, %add3A_121 : i32
        %mul3A_123 = arith.constant 80 : i32
        %mul3A_124 = arith.muli %add3A_122, %mul3A_123 : i32
        %add3A_125 = arith.addi %mul3A_120, %mul3A_124 : i32
        %dma_start3A_126 = arith.constant 0 : i32
        %dma_start3A_127 = tpu.memref_slice %arg4[%add3A_125, %dma_start3A_126] : memref<320000x128xf32, #tpu.memory_space<hbm>> -> memref<80x128xf32, #tpu.memory_space<hbm>>
        %dma_start3A_128 = arith.constant 0 : i32
        %dma_start3A_129 = tpu.memref_slice %arg4[%add3A_125, %dma_start3A_128] : memref<320000x128xf32, #tpu.memory_space<hbm>> -> memref<80x128xf32, #tpu.memory_space<hbm>>
        tpu.enqueue_dma source(%dma_start3A_129 : memref<80x128xf32, #tpu.memory_space<hbm>>) target(%arg14 : memref<80x128xf32, #tpu.memory_space<vmem>>) target_semaphore(%arg23 : memref<!tpu.dma_semaphore, #tpu.memory_space<semaphore_mem>>)
      } else {
      }
      %dma_start3A_104 = arith.constant 0 : i32
      %dma_start3A_105 = arith.constant 0 : i32
      %dma_start3A_106 = tpu.memref_slice %arg21[%dma_start3A_104, %dma_start3A_105] : memref<10112x128xf32, #tpu.memory_space<vmem_shared>> -> memref<10112x128xf32, #tpu.memory_space<vmem_shared>>
      tpu.enqueue_indirect_dma source(%arg15 : memref<80x128xf32, #tpu.memory_space<vmem>>) target(%dma_start3A_106 : memref<10112x128xf32, #tpu.memory_space<vmem_shared>>) offsets(%arg19 : memref<80xi32, #tpu.memory_space<vmem>>) semaphore(%arg24 : memref<!tpu.dma_semaphore, #tpu.memory_space<semaphore_mem>>) {add = true}
      "tpu.region"() ({
        %run_scoped3A_107 = tpu.sem_alloc : memref<!tpu.dma_semaphore, #tpu.memory_space<semaphore_mem>>
        %dma_start3A_108 = arith.constant 0 : i32
        %dma_start3A_109 = tpu.memref_slice %arg22[%dma_start3A_108] : memref<10240xf32, #tpu.memory_space<vmem_shared>> -> memref<10240xf32, #tpu.memory_space<vmem_shared>>
        tpu.enqueue_indirect_dma source(%arg16 : memref<80xf32, #tpu.memory_space<vmem>>) target(%dma_start3A_109 : memref<10240xf32, #tpu.memory_space<vmem_shared>>) offsets(%arg19 : memref<80xi32, #tpu.memory_space<vmem>>) semaphore(%run_scoped3A_107 : memref<!tpu.dma_semaphore, #tpu.memory_space<semaphore_mem>>) {add = true}
        %dma_wait3A_110 = arith.constant 0 : i32
        %dma_wait3A_111 = tpu.memref_slice %arg22[%dma_wait3A_110] : memref<10240xf32, #tpu.memory_space<vmem_shared>> -> memref<10240xf32, #tpu.memory_space<vmem_shared>>
        tpu.wait_indirect_dma semaphore(%run_scoped3A_107 : memref<!tpu.dma_semaphore, #tpu.memory_space<semaphore_mem>>) src(%arg16 : memref<80xf32, #tpu.memory_space<vmem>>) dst(%dma_wait3A_111 : memref<10240xf32, #tpu.memory_space<vmem_shared>>)
        tpu.yield
      }) : () -> ()
    }
    %scan3A_28 = arith.constant 125 : i32
    %dma_wait3A = arith.constant 0 : i32
    %dma_wait3A_29 = arith.constant 0 : i32
    %dma_wait3A_30 = tpu.memref_slice %arg21[%dma_wait3A, %dma_wait3A_29] : memref<10112x128xf32, #tpu.memory_space<vmem_shared>> -> memref<10112x128xf32, #tpu.memory_space<vmem_shared>>
    tpu.wait_indirect_dma semaphore(%arg24 : memref<!tpu.dma_semaphore, #tpu.memory_space<semaphore_mem>>) src(%arg15 : memref<80x128xf32, #tpu.memory_space<vmem>>) dst(%dma_wait3A_30 : memref<10112x128xf32, #tpu.memory_space<vmem_shared>>)
    %barrier3A_31 = arith.constant 0 : index
    tpu.barrier barrier_id(%barrier3A_31)
    "tpu.region"() ({
      %run_scoped3A_32 = tpu.sem_alloc : memref<!tpu.dma_semaphore, #tpu.memory_space<semaphore_mem>>
      %dma_start3A_33 = arith.constant 0 : i32
      %dma_start3A_34 = tpu.memref_slice %arg10[%arg0, %mul3A_2, %dma_start3A_33] : memref<2x10112x128xf32, #tpu.memory_space<hbm>> -> memref<1x632x128xf32, #tpu.memory_space<hbm>>
      %dma_start3A_35 = tpu.memref_squeeze %dma_start3A_34 : memref<1x632x128xf32, #tpu.memory_space<hbm>> -> memref<632x128xf32, #tpu.memory_space<hbm>>
      %dma_start3A_36 = arith.constant 0 : i32
      %dma_start3A_37 = tpu.memref_slice %arg21[%mul3A_2, %dma_start3A_36] : memref<10112x128xf32, #tpu.memory_space<vmem_shared>> -> memref<632x128xf32, #tpu.memory_space<vmem_shared>>
      tpu.enqueue_dma source(%dma_start3A_37 : memref<632x128xf32, #tpu.memory_space<vmem_shared>>) target(%dma_start3A_35 : memref<632x128xf32, #tpu.memory_space<hbm>>) target_semaphore(%run_scoped3A_32 : memref<!tpu.dma_semaphore, #tpu.memory_space<semaphore_mem>>)
      %dma_wait3A_38 = arith.constant 0 : i32
      %dma_wait3A_39 = tpu.memref_slice %arg10[%arg0, %mul3A_2, %dma_wait3A_38] : memref<2x10112x128xf32, #tpu.memory_space<hbm>> -> memref<1x632x128xf32, #tpu.memory_space<hbm>>
      %dma_wait3A_40 = tpu.memref_squeeze %dma_wait3A_39 : memref<1x632x128xf32, #tpu.memory_space<hbm>> -> memref<632x128xf32, #tpu.memory_space<hbm>>
      %dma_wait3A_41 = arith.constant 0 : i32
      %dma_wait3A_42 = tpu.memref_slice %arg21[%mul3A_2, %dma_wait3A_41] : memref<10112x128xf32, #tpu.memory_space<vmem_shared>> -> memref<632x128xf32, #tpu.memory_space<vmem_shared>>
      tpu.wait_dma2 semaphore(%run_scoped3A_32 : memref<!tpu.dma_semaphore, #tpu.memory_space<semaphore_mem>>) src(%dma_wait3A_42 : memref<632x128xf32, #tpu.memory_space<vmem_shared>>) dst(%dma_wait3A_40 : memref<632x128xf32, #tpu.memory_space<hbm>>)
      tpu.yield
    }) : () -> ()
    "tpu.region"() ({
      %run_scoped3A_32 = tpu.sem_alloc : memref<!tpu.dma_semaphore, #tpu.memory_space<semaphore_mem>>
      %dma_start3A_33 = tpu.memref_slice %arg11[%arg0, %mul3A_4] : memref<2x10240xf32, #tpu.memory_space<hbm>> -> memref<1x640xf32, #tpu.memory_space<hbm>>
      %dma_start3A_34 = tpu.memref_squeeze %dma_start3A_33 : memref<1x640xf32, #tpu.memory_space<hbm>> -> memref<640xf32, #tpu.memory_space<hbm>>
      %dma_start3A_35 = tpu.memref_slice %arg22[%mul3A_4] : memref<10240xf32, #tpu.memory_space<vmem_shared>> -> memref<640xf32, #tpu.memory_space<vmem_shared>>
      tpu.enqueue_dma source(%dma_start3A_35 : memref<640xf32, #tpu.memory_space<vmem_shared>>) target(%dma_start3A_34 : memref<640xf32, #tpu.memory_space<hbm>>) target_semaphore(%run_scoped3A_32 : memref<!tpu.dma_semaphore, #tpu.memory_space<semaphore_mem>>)
      %dma_wait3A_36 = tpu.memref_slice %arg11[%arg0, %mul3A_4] : memref<2x10240xf32, #tpu.memory_space<hbm>> -> memref<1x640xf32, #tpu.memory_space<hbm>>
      %dma_wait3A_37 = tpu.memref_squeeze %dma_wait3A_36 : memref<1x640xf32, #tpu.memory_space<hbm>> -> memref<640xf32, #tpu.memory_space<hbm>>
      %dma_wait3A_38 = tpu.memref_slice %arg22[%mul3A_4] : memref<10240xf32, #tpu.memory_space<vmem_shared>> -> memref<640xf32, #tpu.memory_space<vmem_shared>>
      tpu.wait_dma2 semaphore(%run_scoped3A_32 : memref<!tpu.dma_semaphore, #tpu.memory_space<semaphore_mem>>) src(%dma_wait3A_38 : memref<640xf32, #tpu.memory_space<vmem_shared>>) dst(%dma_wait3A_37 : memref<640xf32, #tpu.memory_space<hbm>>)
      tpu.yield
    }) : () -> ()
    return
  }
}

</mosaic_0001>

<sc_bundles>
// kernel: _edge_aggregate.3.cloned.1.call-start
scs
__scs_entry_jumppad:
0x0: {  	(pc) =	sbr.rel $0x88, $3  }
0x1: {  	(tag) =	ssettag $0x0;
	lr =	simm.s32 $0x1  }
0x2: {  	[smem:$0x3F99] =	sst lr;
	_ =	strace $0xD0000000  }
0x3: {  	_ = 	snop  }
0x4: {  	_ = 	snop  }
0x5: {  	_ = 	snop  }
0x6: {  	_ = 	snop  }
0x7: {  	_ = 	snop  }
__scs_overlays_trampoline_lowered:
0x8: {  	[smem:$0x3FA8] =	sst s0  }
0x9: {  	[smem:$0x3FA9] =	sst s1  }
0xa: {  	[smem:$0x3FAA] =	sst s2  }
0xb: {  	[smem:$0x3FAB] =	sst s3  }
0xc: {  	[smem:$0x3FAC] =	sst s4  }
0xd: {  	[smem:$0x3FAD] =	sst s5  }
0xe: {  	[smem:$0x3FAE] =	sst s6  }
0xf: {  	[smem:$0x3FAF] =	sst s7  }
0x10: {  	[smem:$0x3FB0] =	sst s8  }
0x11: {  	[smem:$0x3FB1] =	sst s9;
	s0 =	simm.s32 @!p0 $0x0  }
0x12: {  	s1 =	sld [smem:$0x3F97];
	s0 =	simm.s32 @p0 $0x1  }
0x13: {  	[smem:$0x3FB2] =	sst s0;
	s0 =	simm.s32 @!p1 $0x0  }
0x14: {  	s2 =	sld [smem:$0x3F96];
	s0 =	simm.s32 @p1 $0x1  }
0x15: {  	[smem:$0x3FB3] =	sst s0;
	s0 =	simm.s32 @!p2 $0x0  }
0x16: {  	s3 =	sld [smem:$0x3FDB];
	s0 =	simm.s32 @p2 $0x1  }
0x17: {  	s4 =	simm.s32 $0x1BF5;
	[smem:$0x3FB5] =	sst s0  }
0x18: {  	s0 =	sld [smem:$0x3F98];
	_ =	swait.ge [sflag:s4], $0x0  }
0x19: {  	s7 =	sld [smem:$0x3F99]  }
0x1a: {  	s8 =	sadd.s32 $0xFFFFE003, lr  }
0x1b: {  	s9 =	sadd.s32 $0xFFFFFEF7, lr;
	s5 =	simm.s32 $0xFFFFFFFF;
	p2 =	slt.u32 s8, $0xFFFFF086  }
0x1c: {  	p1 =	slt.u32 s9, $0xF7A;
	s5 =	simm.s32 @!p2 $0x0  }
0x1d: {  	s5 =	simm.s32 @p1 $0x1;
	p0 =	seq.s32 s7, s2  }
0x1e: {  	s7 =	smul.u32 @!p0 $0xF7A, s2;
	p2 =	seq.s32 @!p0 s5, $0x0  }
0x1f: {  	s9 =	smul.u32 $0xF7A, s1;
	s8 =	simm.s32 @!p0 $0x1BF5;
	p2 =	por !p2, p0  }
0x20: {  	[sflag:s8] =	ssyncset.s32 @!p0 $0xFFFFF086;
	s6 =	sadd.s32 @!p0 s3, s7;
	s7 =	simm.s32 @!p0 $0x108  }
0x21: {  	s3 =	sadd.s32 s3, s9;
	s6 =	sadd.s32 @!p0 $0x88, s6;
	s7 =	simm.s32 @p2 $0x1082  }
0x22: {  	[simem:s7], [sflag:s8] =	dma.local @!p0 [hbm:s6], $0xF7A  }
0x23: {  	s9 =	sor.u32 $0xD0000000, s2;
	s6 =	simm.s32 $0x108;
	_ =	swait.ge @!p0 [sflag:s8], $0x0  }
0x24: {  	s3 =	sadd.s32 $0x88, s3;
	s6 =	simm.s32 @!p1 $0x1082;
	[sflag:s4] =	ssyncset.s32 $0xFFFFF086  }
0x25: {  	[simem:s6], [sflag:s4] =	dma.local [hbm:s3], $0xF7A  }
0x26: {  	[smem:$0x3F99] =	sst s1;
	(tag) =	ssettag s2;
	_ =	strace s9  }
0x27: {  	s1 =	sld [smem:$0x3FA9]  }
0x28: {  	s2 =	sld [smem:$0x3FAA]  }
0x29: {  	s4 =	sld [smem:$0x3FAC]  }
0x2a: {  	p0 =	seq.s32 s5, $0x0;
	s5 =	sld [smem:$0x3FAD]  }
0x2b: {  	s6 =	sld [smem:$0x3FAE]  }
0x2c: {  	s7 =	sld [smem:$0x3FAF]  }
0x2d: {  	s3 =	simm.s32 $0x108;
	s8 =	sld [smem:$0x3FB0]  }
0x2e: {  	s3 =	simm.s32 @!p0 $0x1082;
	s9 =	sld [smem:$0x3FB1]  }
0x2f: {  	lr =	sadd.s32 s0, s3;
	s0 =	sld [smem:$0x3FA8]  }
0x30: {  	s3 =	sld [smem:$0x3FAB]  }
0x31: {  	[smem:$0x3FB4] =	sst s10  }
0x32: {  	s10 =	sld [smem:$0x3FB2];
	_ =	sdelay $0x3  }
0x33: {  	p0 =	seq.s32 s10, $0x1;
	s10 =	sld [smem:$0x3FB4];
	_ =	sdelay $0x3  }
0x34: {  	[smem:$0x3FB4] =	sst s10  }
0x35: {  	s10 =	sld [smem:$0x3FB3];
	_ =	sdelay $0x3  }
0x36: {  	p1 =	seq.s32 s10, $0x1;
	s10 =	sld [smem:$0x3FB4];
	_ =	sdelay $0x3  }
0x37: {  	[smem:$0x3FB4] =	sst s10  }
0x38: {  	s10 =	sld [smem:$0x3FB5]  }
0x39: {  	_ = 	snop;
	(pc) =	sbr.ind lr, $3  }
0x3a: {  	_ = 	snop  }
0x3b: {  	_ = 	snop  }
0x3c: {  	p2 =	seq.s32 s10, $0x1;
	s10 =	sld [smem:$0x3FB4]  }
0x3d: {  	_ =	shalt  }
0x3e: {  	_ =	shalt  }
0x3f: {  	_ =	shalt  }
0x40: {  	_ =	shalt  }
0x41: {  	_ =	shalt  }
0x42: {  	_ =	shalt  }
0x43: {  	_ =	shalt  }
0x44: {  	_ =	shalt  }
0x45: {  	_ =	shalt  }
0x46: {  	_ =	shalt  }
0x47: {  	_ =	shalt  }
0x48: {  	_ =	shalt  }
0x49: {  	_ =	shalt  }
0x4a: {  	_ =	shalt  }
0x4b: {  	_ =	shalt  }
0x4c: {  	_ =	shalt  }
0x4d: {  	_ =	shalt  }
0x4e: {  	_ =	shalt  }
0x4f: {  	_ =	shalt  }
0x50: {  	_ =	shalt  }
0x51: {  	_ =	shalt  }
0x52: {  	_ =	shalt  }
0x53: {  	_ =	shalt  }
0x54: {  	_ =	shalt  }
0x55: {  	_ =	shalt  }
0x56: {  	_ =	shalt  }
0x57: {  	_ =	shalt  }
0x58: {  	_ =	shalt  }
0x59: {  	_ =	shalt  }
0x5a: {  	_ =	shalt  }
0x5b: {  	_ =	shalt  }
0x5c: {  	_ =	shalt  }
0x5d: {  	_ =	shalt  }
0x5e: {  	_ =	shalt  }
0x5f: {  	_ =	shalt  }
0x60: {  	_ =	shalt  }
0x61: {  	_ =	shalt  }
0x62: {  	_ =	shalt  }
0x63: {  	_ =	shalt  }
0x64: {  	_ =	shalt  }
0x65: {  	_ =	shalt  }
0x66: {  	_ =	shalt  }
0x67: {  	_ =	shalt  }
0x68: {  	_ =	shalt  }
0x69: {  	_ =	shalt  }
0x6a: {  	_ =	shalt  }
0x6b: {  	_ =	shalt  }
0x6c: {  	_ =	shalt  }
0x6d: {  	_ =	shalt  }
0x6e: {  	_ =	shalt  }
0x6f: {  	_ =	shalt  }
0x70: {  	_ =	shalt  }
0x71: {  	_ =	shalt  }
0x72: {  	_ =	shalt  }
0x73: {  	_ =	shalt  }
0x74: {  	_ =	shalt  }
0x75: {  	_ =	shalt  }
0x76: {  	_ =	shalt  }
0x77: {  	_ =	shalt  }
0x78: {  	_ =	shalt  }
0x79: {  	_ =	shalt  }
0x7a: {  	_ =	shalt  }
0x7b: {  	_ =	shalt  }
0x7c: {  	_ =	shalt  }
0x7d: {  	_ =	shalt  }
0x7e: {  	_ =	shalt  }
0x7f: {  	_ =	shalt  }
0x80: {  	_ =	shalt  }
0x81: {  	_ =	shalt  }
0x82: {  	_ =	shalt  }
0x83: {  	_ =	shalt  }
0x84: {  	_ =	shalt  }
0x85: {  	_ =	shalt  }
0x86: {  	_ =	shalt  }
0x87: {  	_ =	shalt  }
.Lfunc_end0:
.L_simem_size_0:
called_computation_lowered:
.L_overlay_start_0:
0x88: {  	s2 =	sld [smem:$0x3FD9]  }
0x89: {  	s3 =	sld [smem:$0x3FFE];
	_ =	sdelay $0x1  }
0x8a: {  	s1 =	srdreg.scid  }
0x8b: {  	s0 =	sand.u32 $0x1, s1  }
0x8c: {  	s14 =	sshll.u32 s0, $0xA;
	s2 =	sadd.s32 s3, s2  }
0x8d: {  	s2 =	sadd.s32 s2, s14  }
0x8e: {  	[smem:$0x3FC0] =	sst s2  }
0x8f: {  	_ = 	snop  }
0x90: {  	s2 =	sld [smem:$0x3FC9]  }
0x91: {  	s15 =	sld [smem:$0x3FC8]  }
0x92: {  	s4 =	sld [smem:$0x3FC7]  }
0x93: {  	s5 =	sld [smem:$0x3FD0]  }
0x94: {  	s6 =	sld [smem:$0x3FC4]  }
0x95: {  	s7 =	sld [smem:$0x3FC3]  }
0x96: {  	s9 =	simm.s32 $0xA;
	s10 =	simm.s32 $0x10;
	s8 =	sld [smem:$0x3FC2]  }
0x97: {  	[smem:s10], [sflag:s9] =	dma.local [hbm:s5], $0x1  }
0x98: {  	_ =	swait.eq [sflag:s9], $0x1  }
0x99: {  	[sflag:s9] =	ssyncset.done $0x0  }
0x9a: {  	s16 =	sld [smem:$0x10];
	[sflag:s9] =	ssyncadd.s32 $0xFFFFFFFF  }
0x9b: {  	s17 =	sld [smem:$0x11];
	(tm) =	ssettm $0x1  }
0x9c: {  	s18 =	sld [smem:$0x3FFB];
	_ =	sdelay $0x3  }
0x9d: {  	_ =	strace s18  }
0x9e: {  	s10 =	sld [smem:$0x3FFC];
	_ =	sdelay $0x3  }
0x9f: {  	_ =	strace s10  }
0xa0: {  	s10 =	sld [smem:$0x3FFD];
	_ =	sdelay $0x3  }
0xa1: {  	_ =	strace s10  }
0xa2: {  	_ =	strace $0x8FFFFFFF  }
0xa3: {  	s19 =	sld [smem:$0x3FDB];
	_ =	sdelay $0x1  }
0xa4: {  	s11 =	simm.s32 $_scs_section_size  }
0xa5: {  	s12 =	simm.s32 $_size__tile_overlayer_lowered;
	s13 =	simm.s32 $_tile_overlayer_lowered  }
0xa6: {  	s22 =	simm.s32 $0x1BFF;
	s21 =	sshll.u32 s13, $0x1;
	s10 =	sadd.s32 s11, s19  }
0xa7: {  	s20 =	sshll.u32 s12, $0x1;
	s14 =	simm.s32 $0x0;
	s12 =	sadd.s32 s21, s10  }
0xa8: {  	[timem:s14], [sflag:s22] =	dma.local [hbm:s12], s20  }
0xa9: {  	_ =	swait.ge [sflag:s22], s20  }
0xaa: {  	s11 =	ssub.s32 $0x0, s20;
	[sflag:s22] =	ssyncset.done $0x0  }
0xab: {  	[sflag:s22] =	ssyncadd.s32 s11;
	_ =	sdelay $0x1  }
0xac: {  	s23 =	simm.s32 $0x1B8B  }
0xad: {  	_ =	swait.ge [sflag:s23], $0x1  }
0xae: {  	[sflag:s23] =	ssyncset.done $0x0  }
0xaf: {  	s25 =	simm.s32 $0x1B8E;
	s24 =	sld [smem:$0x3FFE];
	[sflag:s23] =	ssyncadd.s32 $0xFFFFFFFF  }
0xb0: {  	s26 =	simm.s32 $execute0_lowered;
	[smem:$0x3FD2] =	sst s25  }
0xb1: {  	s12 =	sshll.u32 s26, $0x1;
	_ =	strace $0x80000046;
	[dreg:$0x1] =	wrdreg $0xFFFFFFFF  }
0xb2: {  	s28 =	simm.s32 $_size_execute0_lowered;
	s10 =	sadd.s32 s10, s12;
	[dreg:$0x0] =	wrdreg $0x0  }
0xb3: {  	s12 =	sshll.u32 s28, $0x1;
	[dreg:$0x2] =	wrdreg s10  }
0xb4: {  	[dreg:$0x3] =	wrdreg s12  }
0xb5: {  	[dreg:$0x4] =	wrdreg $0xC0  }
0xb6: {  	_ =	task [dreg:s14], $0x5FFFF  }
0xb7: {  	[dreg:$0x1] =	wrdreg $0xFFFFFFFF  }
0xb8: {  	[dreg:$0x0] =	wrdreg $0x60  }
0xb9: {  	[dreg:$0x2] =	wrdreg s2  }
0xba: {  	[dreg:$0x3] =	wrdreg s15  }
0xbb: {  	[dreg:$0x4] =	wrdreg s4  }
0xbc: {  	[dreg:$0x5] =	wrdreg s24  }
0xbd: {  	[dreg:$0x6] =	wrdreg s6  }
0xbe: {  	[dreg:$0x7] =	wrdreg s7  }
0xbf: {  	[dreg:$0x8] =	wrdreg s8  }
0xc0: {  	[dreg:$0x9] =	wrdreg s16  }
0xc1: {  	[dreg:$0xa] =	wrdreg s17  }
0xc2: {  	[dreg:$0xb] =	wrdreg $0xC1800  }
0xc3: {  	[dreg:$0xc] =	wrdreg $0x1FD800  }
0xc4: {  	[dreg:$0xd] =	wrdreg $0x9  }
0xc5: {  	_ =	task.clear_ibuf [dreg:s14], $0xEFFFF;
	_ =	strace $0x90000046  }
0xc6: {  	s29 =	simm.s32 $0x9;
	_ =	strace $0x80000048  }
0xc7: {  	_ =	swait.ge [sflag:s29], $0x1  }
0xc8: {  	[sflag:s29] =	ssyncadd.s32 $0xFFFFFFFF  }
0xc9: {  	_ =	strace $0x90000048  }
0xca: {  	_ =	sfence  }
0xcb: {  	s30 =	sld [smem:$0x0];
	_ =	sdelay $0x2  }
0xcc: {  	s31 =	sshll.u32 s1, $0xD;
	s1 =	sshrl.u32 s1, $0x2  }
0xcd: {  	s3 =	sand.u32 $0x4000, s31;
	s1 =	sadd.s32 s1, s30  }
0xce: {  	s0 =	sor.u32 s3, s0;
	s1 =	sshll.u32 s1, $0x11  }
0xcf: {  	s0 =	sor.u32 s1, s0  }
0xd0: {  	s0 =	sadd.s32 $0x8F2B, s0  }
0xd1: {  	[sflag:s0] =	ssyncadd.remote.s32 $0x1  }
0xd2: {  	_ =	sfence.sel $0xFFFF  }
0xd3: {  	[dreg:$0x0] =	wrdreg $0xFFFFFFFF;
	(pc) =	sbr.abs _section_cstart, $3  }
0xd4: {  	[dreg:$0x1] =	wrdreg $0xFFFFFFFF  }
0xd5: {  	_ =	task.clear_ibuf [dreg:s14], $0x2FFFF;
	_ =	strace $0x9FFFFFFF  }
0xd6: {  	(tm) =	ssettm $0x7FFFFFFF  }
0xd7: {  	_ =	shalt  }
tec
execute0_lowered:
.L_overlay_start_1:
0x0: {  	(tag) =	ssettag $0x1  }
0x1: {  	s11 =	rddreg [dreg:$0x2]  }
0x2: {  	s0 =	rddreg [dreg:$0x3]  }
0x3: {  	s1 =	rddreg [dreg:$0x5]  }
0x4: {  	s2 =	rddreg [dreg:$0x6]  }
0x5: {  	s14 =	rddreg [dreg:$0x7]  }
0x6: {  	s4 =	rddreg [dreg:$0x8]  }
0x7: {  	s10 =	rddreg [dreg:$0x9]  }
0x8: {  	s12 =	rddreg [dreg:$0xa]  }
0x9: {  	s5 =	srdreg.scid;
	s13 =	stileid.u32  }
0xa: {  	s6 =	simm.s32 $0x0;
	s29 =	simm.s32 $0x50;
	s8 =	smul.u32 $0x4F000, s13  }
0xb: {  	s5 =	sand.u32 $0x1, s5;
	[smem:$0x7FF] =	sst s6;
	s31 =	smul.u32 $0x13C00, s13  }
0xc: {  	s15 =	sadd.s32 $0x800, s0;
	s16 =	sadd.s32 $0x14800, s0;
	s9 =	smul.u32 $0x280, s13  }
0xd: {  	s18 =	sshll.u32 s13, $0x6;
	s23 =	smul.u32 $0x500, s13;
	s26 =	ssub.s32 $0x2, s5  }
0xe: {  	_ =	strace $0x80000047;
	s28 =	sshll.u32 s5, $0x4;
	s20 =	smul.u32 $0x13C000, s5  }
0xf: {  	s5 =	sshll.u32 s5, $0x7;
	[dreg:$0xc] =	wrdreg s15;
	s7 =	sshrl.u32 s26, $0x1  }
0x10: {  	s30 =	sshrl.u32 s8, $0x2;
	s6 =	sor.u32 s13, s28;
	s21 =	sadd.s32 s9, s12  }
0x11: {  	s17 =	sshrl.u32 s31, $0x3;
	s3 =	sadd.s32 s30, s10;
	[dreg:$0x11] =	wrdreg s21  }
0x12: {  	s22 =	sshrl.u32 s9, $0x3;
	s1 =	sadd.s32 s1, s17;
	[dreg:$0xd] =	wrdreg s3  }
0x13: {  	s5 =	sor.u32 s5, s23;
	s2 =	sadd.s32 s2, s22;
	[dreg:$0xf] =	wrdreg s1  }
0x14: {  	s19 =	smul.u32 $0x5000, s6;
	s10 =	sor.u32 $0x1C03, s18;
	[dreg:$0x12] =	wrdreg s2  }
0x15: {  	s0 =	ssub.s32 s26, s7;
	s26 =	smul.u32 $0x2710, s6;
	[dreg:$0x10] =	wrdreg s10  }
0x16: {  	s25 =	smul.u32 $0x27100, s6;
	s30 =	sshrl.u32 s5, $0x3;
	[dreg:$0xe] =	wrdreg s19  }
0x17: {  	s1 =	sadd.s32 s31, s20;
	s31 =	sadd.s32 s4, s30;
	[dreg:$0x15] =	wrdreg s26  }
0x18: {  	s7 =	simm.s32 $0xA000;
	s0 =	smax.u32 s0, $0x1;
	[dreg:$0x18] =	wrdreg s31  }
0x19: {  	s24 =	sshrl.u32 s19, $0x3;
	s28 =	sadd.s32 s11, s25;
	[dreg:$0x19] =	wrdreg s0  }
0x1a: {  	s4 =	simm.s32 $0x1;
	s3 =	sadd.s32 s15, s24;
	[dreg:$0x16] =	wrdreg s28  }
0x1b: {  	s1 =	sshrl.u32 s1, $0x3;
	s2 =	sadd.s32 s16, s24;
	[dreg:$0x13] =	wrdreg s3  }
0x1c: {  	s1 =	sadd.s32 s14, s1;
	s24 =	simm.s32 $0x3;
	[dreg:$0x14] =	wrdreg s2  }
0x1d: {  	s3 =	smov.u32 s16;
	[dreg:$0x17] =	wrdreg s1;
	s1 =	simm.s32 $0x0  }
.LBB2_1:
0x1e: {  	[dreg:$0x1a] =	wrdreg s1  }
0x1f: {  	s0 =	rddreg [dreg:$0xd]  }
0x20: {  	s15 =	rddreg [dreg:$0xf];
	s14 =	sshrl.u32 s0, $0x3  }
0x21: {  	[dreg:$0x1b] =	wrdreg s14  }
0x22: {  	[spmem:s14], [sflag:s10] =	dma.local [hbm:s15], $0x2780  }
0x23: {  	_ =	swait.ge [sflag:s24], $0x2780  }
0x24: {  	s16 =	rddreg [dreg:$0x11]  }
0x25: {  	[sflag:s24] =	ssyncset.done $0x0;
	s18 =	rddreg [dreg:$0x12];
	s17 =	sshrl.u32 s16, $0x3  }
0x26: {  	[sflag:s24] =	ssyncadd.s32 $0xFFFFD880;
	[dreg:$0x1c] =	wrdreg s17  }
0x27: {  	[spmem:s17], [sflag:s10] =	dma.local [hbm:s18], $0x50  }
0x28: {  	_ =	swait.ge [sflag:s24], $0x50  }
0x29: {  	[sflag:s24] =	ssyncset.done $0x0  }
0x2a: {  	[sflag:s24] =	ssyncadd.s32 $0xFFFFFFB0  }
0x2b: {  	s20 =	simm.s32 $0x0;
	s2 =	simm.s32 $0xC100;
	s19 =	rddreg [dreg:$0x4]  }
0x2c: {  	[tilespmem:s2], [sflag:$0x3] =	stream.linear.gather [hbm4b:s19+s20], $0x80, $0x38;
	v63 =	vld [tilespmem:$0x0]  }
0x2d: {  	_ =	swait.ge [sflag:s24], $0x80  }
0x2e: {  	[sflag:s24] =	ssyncset.done $0x0  }
0x2f: {  	[sflag:s24] =	ssyncadd.s32 $0xFFFFFF80  }
0x30: {  	[bflag:$0x0] =	sbarrier.arrive $0xFFFF  }
0x31: {  	s22 =	simm.s32 $0xA080;
	s21 =	rddreg [dreg:$0x13]  }
0x32: {  	[tilespmem:s22], [sflag:$0x3] =	stream.linear.gather [hbm4b:s21+s20], $0xC80, $0x38;
	v63 =	vld [tilespmem:$0x0]  }
0x33: {  	_ =	swait.ge [sflag:s24], $0xC80  }
0x34: {  	[sflag:s24] =	ssyncset.done $0x0  }
0x35: {  	s5 =	simm.s32 $0xB080;
	s23 =	rddreg [dreg:$0x14];
	[sflag:s24] =	ssyncadd.s32 $0xFFFFF380  }
0x36: {  	[tilespmem:s5], [sflag:$0x3] =	stream.linear.gather [hbm4b:s23+s20], $0xC80, $0x38;
	v63 =	vld [tilespmem:$0x0]  }
0x37: {  	_ =	swait.ge [sflag:s24], $0xC80  }
0x38: {  	[sflag:s24] =	ssyncset.done $0x0  }
0x39: {  	[sflag:s24] =	ssyncadd.s32 $0xFFFFF380  }
0x3a: {  	s25 =	rddreg [dreg:$0x0]  }
0x3b: {  	[tilespmem:s20], [sflag:$0x1] =	stream.indirect.gather [hbm4b:s25+s29], $0x80, s22, s29, $0xb8;
	v63 =	vld [tilespmem:$0x0]  }
0x3c: {  	s28 =	simm.s32 $0x2800;
	s26 =	rddreg [dreg:$0x1]  }
0x3d: {  	[tilespmem:s28], [sflag:$0x1] =	stream.indirect.gather [hbm4b:s26+s29], $0x80, s5, s29, $0xb8;
	v63 =	vld [tilespmem:$0x0]  }
0x3e: {  	s31 =	simm.s32 $0x5000;
	s11 =	simm.s32 $0x0;
	s30 =	rddreg [dreg:$0x16]  }
0x3f: {  	[tilespmem:s31], [sflag:$0x1] =	stream.linear.gather [hbm4b:s30+s20], $0x2800, $0x38;
	v63 =	vld [tilespmem:$0x0]  }
.LBB2_2:
0x40: {  	_ =	swait.ge [sflag:s4], $0x2800  }
0x41: {  	[sflag:s4] =	ssyncset.done $0x0  }
0x42: {  	[sflag:s4] =	ssyncadd.s32 $0xFFFFD800  }
0x43: {  	s1 =	smul.u32 $0x29, s11;
	_ =	swait.ge [sflag:s4], $0x2800  }
0x44: {  	[sflag:s4] =	ssyncset.done $0x0  }
0x45: {  	s2 =	sshrl.u32 s1, $0xA;
	[sflag:s4] =	ssyncadd.s32 $0xFFFFD800  }
0x46: {  	s2 =	sand.u32 $0x3F, s2;
	_ =	swait.ge [sflag:s4], $0x2800  }
0x47: {  	p0 =	seq.s32 s11, $0x0;
	s2 =	smul.u32 $0x19, s2;
	[sflag:s4] =	ssyncset.done $0x0  }
0x48: {  	s5 =	simm.s32 @!p0 $0x2;
	[sflag:s4] =	ssyncadd.s32 $0xFFFFD800  }
0x49: {  	s2 =	ssub.s32 s11, s2;
	_ =	swait.ge @!p0 [sflag:s5], $0x2800  }
0x4a: {  	s2 =	sand.u32 $0xFF, s2;
	[sflag:s5] =	ssyncset.done @!p0 $0x0  }
0x4b: {  	s2 =	sshll.u32 s2, $0x7;
	[sflag:s5] =	ssyncadd.s32 @!p0 $0xFFFFD800  }
0x4c: {  	v0 =	vld [tilespmem:s2+$0xB080];
	_ =	sdelay $0x4  }
0x4d: {  	[tilespmem:$0xC080] =	vst v0  }
0x4e: {  	v0 =	vld [tilespmem:s2+$0xB090];
	_ =	sdelay $0x4  }
0x4f: {  	[tilespmem:$0xC090] =	vst v0  }
0x50: {  	v0 =	vld [tilespmem:s2+$0xB0A0];
	_ =	sdelay $0x4  }
0x51: {  	s1 =	sadd.s32 $0x29, s1;
	[tilespmem:$0xC0A0] =	vst v0  }
0x52: {  	s1 =	sshrl.u32 s1, $0xA;
	v0 =	vld [tilespmem:s2+$0xB0B0]  }
0x53: {  	s1 =	sand.u32 $0x3F, s1  }
0x54: {  	s20 =	smul.u32 $0x19, s1  }
0x55: {  	s0 =	smov.u32 s11;
	s11 =	sadd.s32 $0x1, s11  }
0x56: {  	s22 =	ssub.s32 s11, s20;
	p0 =	seq.s32 s0, $0x7C  }
0x57: {  	s0 =	sand.u32 @!p0 $0xFF, s22;
	[tilespmem:$0xC0B0] =	vst v0  }
0x58: {  	p1 =	sne.s32 @!p0 s0, $0x0;
	v0 =	vld [tilespmem:s2+$0xB0C0]  }
0x59: {  	p1 =	por p1, p0  }
0x5a: {  	s0 =	sshll.u32 @!p1 s1, $0xC;
	s1 =	rddreg [dreg:$0xe]  }
0x5b: {  	s0 =	sadd.s32 @!p1 s1, s0  }
0x5c: {  	s1 =	rddreg [dreg:$0xc];
	s0 =	sshrl.u32 @!p1 s0, $0x3  }
0x5d: {  	s5 =	simm.s32 @!p1 $0xA080;
	s1 =	sadd.s32 @!p1 s1, s0;
	s2 =	simm.s32 @!p1 $0x0;
	[tilespmem:$0xC0C0] =	vst v0  }
0x5e: {  	[tilespmem:s5], [sflag:$0x3] =	stream.linear.gather @!p1 [hbm4b:s1+s2], $0xC80, $0x38;
	v63 =	vld [tilespmem:$0x0]  }
0x5f: {  	s1 =	simm.s32 @!p1 $0x3  }
0x60: {  	_ =	swait.ge @!p1 [sflag:s1], $0xC80  }
0x61: {  	[sflag:s1] =	ssyncset.done @!p1 $0x0  }
0x62: {  	s0 =	sadd.s32 @!p1 s3, s0;
	s5 =	simm.s32 @!p1 $0xB080;
	[sflag:s1] =	ssyncadd.s32 @!p1 $0xFFFFF380  }
0x63: {  	[tilespmem:s5], [sflag:$0x3] =	stream.linear.gather @!p1 [hbm4b:s0+s2], $0xC80, $0x38;
	v63 =	vld [tilespmem:$0x0]  }
0x64: {  	_ =	swait.ge @!p1 [sflag:s1], $0xC80  }
0x65: {  	[sflag:s1] =	ssyncset.done @!p1 $0x0  }
0x66: {  	[sflag:s1] =	ssyncadd.s32 @!p1 $0xFFFFF380  }
0x67: {  	v4 =	vld [tilespmem:$0xC130]  }
0x68: {  	v5 =	vld [tilespmem:$0xC120]  }
0x69: {  	v7 =	vld [tilespmem:$0xC110]  }
0x6a: {  	s13 =	simm.s32 $0x80;
	v8 =	vld [tilespmem:$0xC100]  }
0x6b: {  	v0 =	vld [tilespmem:s13+$0x70]  }
0x6c: {  	v1 =	vld [tilespmem:s13+$0x60]  }
0x6d: {  	s21 =	simm.s32 $0x5080;
	v2 =	vld [tilespmem:s13+$0x50]  }
0x6e: {  	v3 =	vld [tilespmem:s21+$0x30]  }
0x6f: {  	v6 =	vld [tilespmem:s13+$0x30]  }
0x70: {  	v9 =	vld [tilespmem:s21+$0x10]  }
0x71: {  	v10 =	vld [tilespmem:s21+$0x0]  }
0x72: {  	s23 =	simm.s32 $0x2880;
	v11 =	vld [tilespmem:s13+$0x0]  }
0x73: {  	v12 =	vld [tilespmem:s23+$0x0]  }
0x74: {  	v13 =	vld [tilespmem:s13+$0x10]  }
0x75: {  	v14 =	vld [tilespmem:s23+$0x10]  }
0x76: {  	v15 =	vld [tilespmem:s13+$0x20]  }
0x77: {  	v16 =	vld [tilespmem:s23+$0x20]  }
0x78: {  	v11 =	vadd.f32 v12, v11;
	v12 =	vld [tilespmem:s23+$0x30]  }
0x79: {  	v17 =	vld [tilespmem:s21+$0x20]  }
0x7a: {  	v18 =	vld [tilespmem:s13+$0x40];
	v10 =	vadd.f32 v10, v11;
	v11 =	vadd.f32 v14, v13  }
0x7b: {  	v13 =	vld [tilespmem:s23+$0x40]  }
0x7c: {  	v14 =	vmul.f32 $2.000000030e-01, v10;
	v9 =	vadd.f32 v9, v11;
	v11 =	vadd.f32 v16, v15;
	v15 =	vld [tilespmem:s23+$0x50]  }
0x7d: {  	v6 =	vadd.f32 v12, v6;
	v12 =	vld [tilespmem:s21+$0x40]  }
0x7e: {  	v16 =	vld [tilespmem:s23+$0x60];
	v10 =	vmax.f32 v10, v14;
	v14 =	vmul.f32 $2.000000030e-01, v9;
	v11 =	vadd.f32 v17, v11  }
0x7f: {  	v10 =	vmul.f32 v10, v8;
	v3 =	vadd.f32 v3, v6;
	v6 =	vld [tilespmem:s21+$0x50]  }
0x80: {  	v17 =	vld [tilespmem:s23+$0x70];
	v13 =	vadd.f32 v13, v18;
	v9 =	vmax.f32 v9, v14;
	v14 =	vmul.f32 $2.000000030e-01, v11  }
0x81: {  	v10 =	vadd.f32 $0.0e+00, v10;
	v9 =	vmul.f32 v9, v7;
	v2 =	vadd.f32 v15, v2;
	v15 =	vld [tilespmem:s21+$0x60]  }
0x82: {  	v18 =	vld [tilespmem:$0xC140];
	v11 =	vmax.f32 v11, v14;
	v14 =	vmul.f32 $2.000000030e-01, v3;
	v12 =	vadd.f32 v12, v13  }
0x83: {  	v1 =	vadd.f32 v16, v1;
	v13 =	vld [tilespmem:s21+$0x70];
	v9 =	vadd.f32 v9, v10;
	v10 =	vmul.f32 v11, v5  }
0x84: {  	v16 =	vld [tilespmem:$0xC150];
	v3 =	vmax.f32 v3, v14;
	v14 =	vmul.f32 $2.000000030e-01, v12;
	v2 =	vadd.f32 v6, v2  }
0x85: {  	v0 =	vadd.f32 v17, v0;
	v6 =	vadd.f32 v10, v9;
	v3 =	vmul.f32 v3, v4  }
0x86: {  	v11 =	vld [tilespmem:$0xC160];
	v9 =	vmax.f32 v12, v14;
	v10 =	vmul.f32 $2.000000030e-01, v2;
	v1 =	vadd.f32 v15, v1  }
0x87: {  	v3 =	vadd.f32 v3, v6;
	v6 =	vmul.f32 v9, v18  }
0x88: {  	v9 =	vadd.f32 v13, v0;
	v0 =	vld [tilespmem:$0xC170];
	v2 =	vmax.f32 v2, v10;
	v10 =	vmul.f32 $2.000000030e-01, v1  }
0x89: {  	v3 =	vadd.f32 v6, v3;
	v2 =	vmul.f32 v2, v16  }
0x8a: {  	v6 =	vmul.f32 $2.000000030e-01, v9;
	v1 =	vmax.f32 v1, v10  }
0x8b: {  	v19 =	vld [tilespmem:s23+$0xFFFFFFA0];
	v2 =	vadd.f32 v2, v3;
	v1 =	vmul.f32 v1, v11  }
0x8c: {  	v20 =	vld [tilespmem:s21+$0xFFFFFFA0];
	v3 =	vmax.f32 v9, v6  }
0x8d: {  	v21 =	vld [tilespmem:s13+$0xFFFFFFB0];
	v1 =	vadd.f32 v1, v2;
	v2 =	vmul.f32 v3, v0  }
0x8e: {  	v22 =	vld [tilespmem:s23+$0xFFFFFFB0]  }
0x8f: {  	v23 =	vld [tilespmem:s21+$0xFFFFFFB0];
	v1 =	vadd.f32 v2, v1  }
0x90: {  	v24 =	vld [tilespmem:s13+$0xFFFFFFC0]  }
0x91: {  	v25 =	vld [tilespmem:s23+$0xFFFFFFC0];
	(xrf2) =	vadd.scan.msk.f32 $0xffff, v1  }
0x92: {  	v26 =	vld [tilespmem:s21+$0xFFFFFFC0]  }
0x93: {  	v27 =	vld [tilespmem:s13+$0xFFFFFFD0]  }
0x94: {  	v28 =	vld [tilespmem:s23+$0xFFFFFFD0]  }
0x95: {  	v29 =	vld [tilespmem:s21+$0xFFFFFFD0]  }
0x96: {  	v30 =	vld [tilespmem:s13+$0xFFFFFFE0]  }
0x97: {  	v31 =	vld [tilespmem:s23+$0xFFFFFFE0]  }
0x98: {  	v32 =	vld [tilespmem:s21+$0xFFFFFFE0]  }
0x99: {  	v33 =	vld [tilespmem:s13+$0xFFFFFFF0]  }
0x9a: {  	v34 =	vld [tilespmem:s23+$0xFFFFFFF0]  }
0x9b: {  	s5 =	simm.s32 $0x2980;
	v35 =	vld [tilespmem:s21+$0xFFFFFFF0];
	v1, _, _ =	vpop (xrf2)  }
0x9c: {  	v50 =	vld [tilespmem:s5+$0x20];
	v1 =	vmul.f32 $1.442695020e+00, v1  }
0x9d: {  	v17 =	vld [tilespmem:s13+$0xFFFFFFA0]  }
0x9e: {  	v12 =	vld [tilespmem:s21+$0xFFFFFF80];
	v1 =	vbroadcast v1, $0xF  }
0x9f: {  	v10 =	vld [tilespmem:s13+$0xFFFFFF80]  }
0xa0: {  	v9 =	vld [tilespmem:s23+$0xFFFFFF80];
	(erf) = vpow2.f32 v1  }
0xa1: {  	v14 =	vld [tilespmem:s23+$0xFFFFFF90]  }
0xa2: {  	v13 =	vld [tilespmem:s13+$0xFFFFFF90];
	v17 =	vadd.f32 v19, v17  }
0xa3: {  	s15 =	simm.s32 $0x180;
	v15 =	vld [tilespmem:s21+$0xFFFFFF90]  }
0xa4: {  	s25 =	simm.s32 $0x1;
	s26 =	simm.s32 $0x5180;
	v19 =	vld [tilespmem:s15+$0x50];
	v17 =	vadd.f32 v20, v17  }
0xa5: {  	v20 =	vadd.f32 v22, v21;
	v21 =	vld [tilespmem:s26+$0x30];
	v3 =	vmov s25;
	v37 =	vadd.f32 v9, v10  }
0xa6: {  	v6 =	vld [tilespmem:$0xC120]  }
0xa7: {  	v13 =	vadd.f32 v14, v13;
	v14 =	vld [tilespmem:s15+$0x70];
	v12 =	vadd.f32 v12, v37  }
0xa8: {  	v20 =	vadd.f32 v23, v20;
	v23 =	vadd.f32 v25, v24;
	v24 =	vld [tilespmem:s15+$0x30]  }
0xa9: {  	v25 =	vld [tilespmem:s26+$0x0];
	v13 =	vadd.f32 v15, v13;
	v37 =	vmul.f32 $2.000000030e-01, v12;
	v1 =	vpop (erf)  }
0xaa: {  	v15 =	vld [tilespmem:s15+$0x60];
	[tilespmem:v3+s7+$0x0] =	vst.idx.msk $0x1, v1  }
0xab: {  	v22 =	vmul.f32 $2.000000030e-01, v17;
	v49 =	vmul.f32 $2.000000030e-01, v13;
	v12 =	vmax.f32 v12, v37;
	v36 =	vld [tilespmem:s13+$0x0]  }
0xac: {  	v23 =	vadd.f32 v26, v23;
	v26 =	vld [tilespmem:s5+$0x0];
	v8 =	vmul.f32 v12, v8  }
0xad: {  	v17 =	vmax.f32 v17, v22;
	v22 =	vmul.f32 $2.000000030e-01, v20;
	v2 =	vld [tilespmem:$0xC140];
	v12 =	vmax.f32 v13, v49  }
0xae: {  	v5 =	vmul.f32 v17, v5;
	v17 =	vld [tilespmem:s15+$0x0];
	v7 =	vmul.f32 v12, v7;
	v8 =	vadd.f32 $0.0e+00, v8  }
0xaf: {  	v9 =	vld [tilespmem:$0xC110];
	v20 =	vmax.f32 v20, v22;
	v22 =	vmul.f32 $2.000000030e-01, v23  }
0xb0: {  	v10 =	vld [tilespmem:$0xC100];
	v7 =	vadd.f32 v7, v8;
	v8 =	vadd.f32 v28, v27;
	v36 =	vmul.f32 v1, v36  }
0xb1: {  	s16 =	simm.s32 $0x7880;
	v4 =	vmul.f32 v20, v4;
	v20 =	vmax.f32 v23, v22;
	v23 =	vld [tilespmem:s5+$0x10]  }
0xb2: {  	v5 =	vadd.f32 v5, v7;
	v7 =	vadd.f32 v29, v8;
	v8 =	vld [tilespmem:s15+$0x10];
	[tilespmem:s16+$0x0] =	vst v36  }
0xb3: {  	v22 =	vadd.f32 v31, v30;
	v38 =	vld [tilespmem:s13+$0x10]  }
0xb4: {  	v12 =	vld [tilespmem:s26+$0x10];
	v4 =	vadd.f32 v4, v5;
	v5 =	vmul.f32 v20, v18;
	v18 =	vmul.f32 $2.000000030e-01, v7  }
0xb5: {  	v22 =	vadd.f32 v32, v22;
	v20 =	vld [tilespmem:s15+$0x20]  }
0xb6: {  	v13 =	vld [tilespmem:s15+$0x40];
	v4 =	vadd.f32 v5, v4;
	v5 =	vmax.f32 v7, v18;
	v7 =	vadd.f32 v26, v17  }
0xb7: {  	v17 =	vld [tilespmem:s5+$0x30];
	v18 =	vmul.f32 $2.000000030e-01, v22;
	v5 =	vmul.f32 v5, v16;
	v16 =	vadd.f32 v34, v33  }
0xb8: {  	v26 =	vld [tilespmem:s26+$0x20];
	v8 =	vadd.f32 v23, v8;
	v7 =	vadd.f32 v25, v7;
	v27 =	vmul.f32 v1, v38  }
0xb9: {  	v4 =	vadd.f32 v5, v4;
	v5 =	vadd.f32 v35, v16;
	v16 =	vmax.f32 v22, v18;
	v18 =	vld [tilespmem:s5+$0x40]  }
0xba: {  	v8 =	vadd.f32 v12, v8;
	v12 =	vadd.f32 v50, v20;
	v20 =	vld [tilespmem:s5+$0x50];
	[tilespmem:s16+$0x10] =	vst v27  }
0xbb: {  	v22 =	vmul.f32 $2.000000030e-01, v7;
	v27 =	vld [tilespmem:s13+$0x20]  }
0xbc: {  	v11 =	vmul.f32 v16, v11;
	v16 =	vadd.f32 v17, v24;
	v17 =	vld [tilespmem:s26+$0x40]  }
0xbd: {  	v24 =	vld [tilespmem:s5+$0x60];
	v7 =	vmax.f32 v7, v22;
	v22 =	vmul.f32 $2.000000030e-01, v8  }
0xbe: {  	v12 =	vadd.f32 v26, v12;
	v16 =	vadd.f32 v21, v16;
	v21 =	vld [tilespmem:s26+$0x50]  }
0xbf: {  	v23 =	vmul.f32 $2.000000030e-01, v5;
	v7 =	vmul.f32 v7, v10;
	v8 =	vmax.f32 v8, v22;
	v22 =	vld [tilespmem:s5+$0x70]  }
0xc0: {  	v13 =	vadd.f32 v18, v13;
	v18 =	vmul.f32 $2.000000030e-01, v12;
	v3 =	vld [tilespmem:$0xC130];
	v25 =	vmul.f32 v1, v27  }
0xc1: {  	v19 =	vadd.f32 v20, v19;
	v20 =	vld [tilespmem:s26+$0x60];
	v7 =	vadd.f32 $0.0e+00, v7;
	v8 =	vmul.f32 v8, v9  }
0xc2: {  	v26 =	vld [tilespmem:s26+$0x70];
	v12 =	vmax.f32 v12, v18;
	v18 =	vmul.f32 $2.000000030e-01, v16;
	v13 =	vadd.f32 v17, v13;
	[tilespmem:s16+$0x20] =	vst v25  }
0xc3: {  	v7 =	vadd.f32 v8, v7;
	v8 =	vmul.f32 v12, v6;
	v12 =	vadd.f32 v24, v15;
	v25 =	vld [tilespmem:s13+$0x30]  }
0xc4: {  	v17 =	vld [tilespmem:$0xC150];
	v15 =	vmax.f32 v16, v18;
	v16 =	vmul.f32 $2.000000030e-01, v13;
	v18 =	vadd.f32 v21, v19  }
0xc5: {  	v7 =	vadd.f32 v8, v7;
	v14 =	vadd.f32 v22, v14;
	v8 =	vmul.f32 v15, v3  }
0xc6: {  	v12 =	vadd.f32 v20, v12;
	v15 =	vld [tilespmem:$0xC160];
	v13 =	vmax.f32 v13, v16;
	v19 =	vmul.f32 $2.000000030e-01, v18  }
0xc7: {  	v7 =	vadd.f32 v8, v7;
	v8 =	vmul.f32 v13, v2;
	v13 =	vadd.f32 v26, v14  }
0xc8: {  	v16 =	vld [tilespmem:$0xC170];
	v14 =	vmax.f32 v18, v19;
	v18 =	vmul.f32 $2.000000030e-01, v12;
	v20 =	vmul.f32 v1, v25  }
0xc9: {  	v4 =	vadd.f32 v11, v4;
	v7 =	vadd.f32 v8, v7;
	v8 =	vmul.f32 v14, v17  }
0xca: {  	v5 =	vmax.f32 v5, v23;
	v12 =	vmax.f32 v12, v18;
	v14 =	vmul.f32 $2.000000030e-01, v13;
	[tilespmem:s16+$0x30] =	vst v20  }
0xcb: {  	v0 =	vmul.f32 v5, v0;
	v5 =	vadd.f32 v8, v7;
	v7 =	vmul.f32 v12, v15;
	v11 =	vld [tilespmem:s13+$0x40]  }
0xcc: {  	v8 =	vmax.f32 v13, v14  }
0xcd: {  	v51 =	vld [tilespmem:s15+$0xFFFFFFC0];
	v0 =	vadd.f32 v0, v4;
	v4 =	vadd.f32 v7, v5;
	v5 =	vmul.f32 v8, v16  }
0xce: {  	v52 =	vld [tilespmem:s5+$0xFFFFFFC0]  }
0xcf: {  	v53 =	vld [tilespmem:s26+$0xFFFFFFC0];
	(xrf2) =	vadd.scan.msk.f32 $0xffff, v0;
	v4 =	vadd.f32 v5, v4  }
0xd0: {  	v54 =	vld [tilespmem:s15+$0xFFFFFFD0];
	v0 =	vmul.f32 v1, v11  }
0xd1: {  	v55 =	vld [tilespmem:s5+$0xFFFFFFD0];
	(xrf2) =	vadd.scan.msk.f32 $0xffff, v4  }
0xd2: {  	v56 =	vld [tilespmem:s26+$0xFFFFFFD0];
	[tilespmem:s16+$0x40] =	vst v0  }
0xd3: {  	v0 =	vld [tilespmem:s13+$0x50]  }
0xd4: {  	v57 =	vld [tilespmem:s15+$0xFFFFFFE0]  }
0xd5: {  	v58 =	vld [tilespmem:s5+$0xFFFFFFE0]  }
0xd6: {  	v59 =	vld [tilespmem:s26+$0xFFFFFFE0]  }
0xd7: {  	v60 =	vld [tilespmem:s15+$0xFFFFFFF0]  }
0xd8: {  	v61 =	vld [tilespmem:s5+$0xFFFFFFF0];
	v0 =	vmul.f32 v0, v1  }
0xd9: {  	s17 =	simm.s32 $0x280;
	v39 =	vld [tilespmem:s26+$0xFFFFFFF0];
	v4, _, _ =	vpop (xrf2)  }
0xda: {  	s9 =	simm.s32 $0x5280;
	v44 =	vld [tilespmem:s17+$0x30];
	[tilespmem:s16+$0x50] =	vst v0;
	v0 =	vmul.f32 $1.442695020e+00, v4  }
0xdb: {  	v45 =	vld [tilespmem:s9+$0x10];
	v5, _, _ =	vpop (xrf2)  }
0xdc: {  	v5 =	vmul.f32 $1.442695020e+00, v5;
	v4 =	vld [tilespmem:s13+$0x60];
	v0 =	vbroadcast v0, $0xF  }
0xdd: {  	v47 =	vld [tilespmem:s9+$0x0]  }
0xde: {  	v23 =	vld [tilespmem:s5+$0xFFFFFFA0];
	(erf) = vpow2.f32 v0;
	v0 =	vbroadcast v5, $0xF  }
0xdf: {  	v24 =	vld [tilespmem:s26+$0xFFFFFFA0]  }
0xe0: {  	s6 =	simm.s32 $0x0;
	v21 =	vld [tilespmem:s26+$0xFFFFFF90];
	(erf) = vpow2.f32 v0  }
0xe1: {  	v13 =	vld [tilespmem:s15+$0xFFFFFF80];
	v5 =	vmov s6;
	v4 =	vmul.f32 v4, v1  }
0xe2: {  	v8 =	vld [tilespmem:s5+$0xFFFFFF80];
	v0 =	vand.u32 $0xFFFFFFFE, v5  }
0xe3: {  	v19 =	vld [tilespmem:s15+$0xFFFFFF90];
	[tilespmem:s16+$0x60] =	vst v4;
	v4 =	vbroadcast v0, $0x0  }
0xe4: {  	s8 =	simm.s32 $0x3;
	v18 =	vld [tilespmem:s26+$0xFFFFFF80]  }
0xe5: {  	v7 =	vmov s8;
	v20 =	vld [tilespmem:s5+$0xFFFFFF90]  }
0xe6: {  	v22 =	vld [tilespmem:s15+$0xFFFFFFA0]  }
0xe7: {  	v26 =	vld [tilespmem:s5+$0xFFFFFFB0];
	v13 =	vadd.f32 v8, v13  }
0xe8: {  	s10 =	simm.s32 $0x2A80;
	v25 =	vld [tilespmem:s15+$0xFFFFFFB0];
	v0 =	vpop (erf)  }
0xe9: {  	v48 =	vld [tilespmem:s10+$0x0];
	v18 =	vadd.f32 v18, v13;
	[tilespmem:v4+s7+$0x0] =	vst.idx.msk $0x1, v0;
	v4 =	vpop (erf)  }
0xea: {  	v27 =	vld [tilespmem:s26+$0xFFFFFFB0];
	v19 =	vadd.f32 v20, v19;
	[tilespmem:v7+s7+$0x0] =	vst.idx.msk $0x1, v4  }
0xeb: {  	v22 =	vadd.f32 v23, v22;
	v41 =	vmul.f32 $2.000000030e-01, v18;
	v40 =	vld [tilespmem:s15+$0x0]  }
0xec: {  	v46 =	vadd.f32 v55, v54;
	v54 =	vld [tilespmem:s17+$0xFFFFFFD0];
	v19 =	vadd.f32 v21, v19  }
0xed: {  	v55 =	vld [tilespmem:s10+$0xFFFFFFD0];
	v22 =	vadd.f32 v24, v22;
	v18 =	vmax.f32 v18, v41;
	v24 =	vadd.f32 v26, v25  }
0xee: {  	v49 =	vld [tilespmem:s17+$0x20];
	v10 =	vmul.f32 v18, v10;
	v18 =	vmul.f32 $2.000000030e-01, v19  }
0xef: {  	v23 =	vld [tilespmem:s17+$0x60];
	v62 =	vmul.f32 $2.000000030e-01, v22;
	v24 =	vadd.f32 v27, v24  }
0xf0: {  	v8 =	vld [tilespmem:$0xC120];
	v18 =	vmax.f32 v19, v18;
	v19 =	vadd.f32 v52, v51;
	v40 =	vmul.f32 v4, v40  }
0xf1: {  	s18 =	simm.s32 $0x7980;
	v13 =	vld [tilespmem:$0xC100];
	v10 =	vadd.f32 $0.0e+00, v10;
	v9 =	vmul.f32 v18, v9  }
0xf2: {  	v26 =	vld [tilespmem:s9+$0x30];
	v18 =	vmax.f32 v22, v62;
	v22 =	vmul.f32 $2.000000030e-01, v24;
	v19 =	vadd.f32 v53, v19;
	[tilespmem:s18+$0x0] =	vst v40  }
0xf3: {  	v30 =	vadd.f32 v56, v46;
	v6 =	vmul.f32 v18, v6;
	v9 =	vadd.f32 v9, v10;
	v25 =	vld [tilespmem:s15+$0x10]  }
0xf4: {  	v20 =	vld [tilespmem:s17+$0x70];
	v10 =	vadd.f32 v58, v57;
	v22 =	vmax.f32 v24, v22;
	v24 =	vmul.f32 $2.000000030e-01, v19  }
0xf5: {  	v27 =	vld [tilespmem:s17+$0x40];
	v3 =	vmul.f32 v22, v3;
	v22 =	vmul.f32 $2.000000030e-01, v30;
	v6 =	vadd.f32 v6, v9  }
0xf6: {  	v18 =	vld [tilespmem:s17+$0x0];
	v9 =	vadd.f32 v59, v10;
	v19 =	vmax.f32 v19, v24;
	v24 =	vadd.f32 v61, v60  }
0xf7: {  	v11 =	vld [tilespmem:$0xC110];
	v22 =	vmax.f32 v30, v22;
	v3 =	vadd.f32 v3, v6;
	v2 =	vmul.f32 v19, v2  }
0xf8: {  	v6 =	vmul.f32 $2.000000030e-01, v9;
	v19 =	vld [tilespmem:s10+$0x10];
	v24 =	vadd.f32 v39, v24;
	v25 =	vmul.f32 v4, v25  }
0xf9: {  	v2 =	vadd.f32 v2, v3;
	v3 =	vmul.f32 v22, v17;
	v22 =	vld [tilespmem:s10+$0x30]  }
0xfa: {  	v6 =	vmax.f32 v9, v6;
	v17 =	vmul.f32 $2.000000030e-01, v24;
	[tilespmem:s18+$0x10] =	vst v25;
	v25 =	vld [tilespmem:s17+$0x10]  }
0xfb: {  	v18 =	vadd.f32 v48, v18;
	v2 =	vadd.f32 v3, v2;
	v3 =	vmul.f32 v6, v15;
	v10 =	vld [tilespmem:s15+$0x20]  }
0xfc: {  	v21 =	vld [tilespmem:s17+$0x50];
	v15 =	vmax.f32 v24, v17  }
0xfd: {  	v9 =	vld [tilespmem:s10+$0x20];
	v17 =	vadd.f32 v47, v18;
	v2 =	vadd.f32 v3, v2;
	v3 =	vmul.f32 v15, v16  }
0xfe: {  	v6 =	vld [tilespmem:s9+$0x20]  }
0xff: {  	v24 =	vld [tilespmem:s9+$0x50];
	v15 =	vmul.f32 $2.000000030e-01, v17;
	v2 =	vadd.f32 v3, v2  }
0x100: {  	v3 =	vadd.f32 v22, v44;
	v22 =	vld [tilespmem:s9+$0x40];
	v18 =	vadd.f32 v19, v25;
	v10 =	vmul.f32 v4, v10  }
0x101: {  	v19 =	vld [tilespmem:s10+$0x40]  }
0x102: {  	v9 =	vadd.f32 v9, v49;
	v15 =	vmax.f32 v17, v15;
	v16 =	vadd.f32 v45, v18;
	v18 =	vld [tilespmem:s10+$0x50];
	[tilespmem:s18+$0x20] =	vst v10  }
0x103: {  	v15 =	vmul.f32 v15, v13;
	v10 =	vld [tilespmem:s15+$0x30]  }
0x104: {  	v6 =	vadd.f32 v6, v9;
	v9 =	vld [tilespmem:s10+$0x60];
	v17 =	vmul.f32 $2.000000030e-01, v16  }
0x105: {  	v3 =	vadd.f32 v26, v3;
	v15 =	vadd.f32 $0.0e+00, v15;
	v7 =	vld [tilespmem:$0xC130]  }
0x106: {  	(xrf2) =	vadd.scan.msk.f32 $0xffff, v2;
	v19 =	vadd.f32 v19, v27;
	v2 =	vmax.f32 v16, v17;
	v16 =	vmul.f32 $2.000000030e-01, v6;
	v17 =	vld [tilespmem:s10+$0x70]  }
0x107: {  	v25 =	vmul.f32 $2.000000030e-01, v3;
	v2 =	vmul.f32 v2, v11;
	v18 =	vadd.f32 v18, v21;
	v21 =	vld [tilespmem:s9+$0x60]  }
0x108: {  	v5 =	vld [tilespmem:$0xC140];
	v19 =	vadd.f32 v22, v19;
	v6 =	vmax.f32 v6, v16;
	v10 =	vmul.f32 v4, v10  }
0x109: {  	v9 =	vadd.f32 v9, v23;
	v22 =	vld [tilespmem:s9+$0x70];
	v2 =	vadd.f32 v2, v15;
	v6 =	vmul.f32 v6, v8  }
0x10a: {  	v3 =	vmax.f32 v3, v25;
	v16 =	vld [tilespmem:$0xC150];
	v23 =	vmul.f32 $2.000000030e-01, v19;
	v18 =	vadd.f32 v24, v18;
	[tilespmem:s18+$0x30] =	vst v10  }
0x10b: {  	v3 =	vmul.f32 v3, v7;
	v2 =	vadd.f32 v6, v2;
	v6 =	vadd.f32 v17, v20;
	v10 =	vld [tilespmem:s15+$0x40]  }
0x10c: {  	v15 =	vld [tilespmem:$0xC160];
	v17 =	vmax.f32 v19, v23;
	v19 =	vmul.f32 $2.000000030e-01, v18;
	v9 =	vadd.f32 v21, v9  }
0x10d: {  	v50 =	vld [tilespmem:s9+$0xFFFFFFB0];
	v17 =	vmul.f32 v17, v5;
	v3 =	vadd.f32 v3, v2  }
0x10e: {  	v6 =	vadd.f32 v22, v6;
	v2 =	vld [tilespmem:$0xC170];
	v18 =	vmax.f32 v18, v19;
	v19 =	vmul.f32 $2.000000030e-01, v9  }
0x10f: {  	v51 =	vld [tilespmem:s17+$0xFFFFFFC0];
	v3 =	vadd.f32 v17, v3;
	v17 =	vmul.f32 v18, v16  }
0x110: {  	v52 =	vld [tilespmem:s10+$0xFFFFFFC0];
	v9 =	vmax.f32 v9, v19;
	v19 =	vmul.f32 $2.000000030e-01, v6;
	v10 =	vmul.f32 v4, v10  }
0x111: {  	v53 =	vld [tilespmem:s9+$0xFFFFFFC0];
	v18, _, _ =	vpop (xrf2);
	v3 =	vadd.f32 v17, v3;
	v9 =	vmul.f32 v9, v15  }
0x112: {  	v12 =	vld [tilespmem:s13+$0x70];
	v6 =	vmax.f32 v6, v19;
	[tilespmem:s18+$0x40] =	vst v10;
	v10 =	vmul.f32 $1.442695020e+00, v18  }
0x113: {  	v3 =	vadd.f32 v9, v3;
	v6 =	vmul.f32 v6, v2;
	v17 =	vld [tilespmem:s15+$0x50]  }
0x114: {  	v26 =	vld [tilespmem:s9+$0xFFFFFFA0];
	v10 =	vbroadcast v10, $0xF  }
0x115: {  	v14 =	vld [tilespmem:s13+$0xFFFFFF80];
	v3 =	vadd.f32 v6, v3  }
0x116: {  	v25 =	vld [tilespmem:s10+$0xFFFFFFA0];
	(erf) = vpow2.f32 v10  }
0x117: {  	s12 =	simm.s32 $0x2;
	v27 =	vld [tilespmem:s10+$0xFFFFFFB0];
	(xrf2) =	vadd.scan.msk.f32 $0xffff, v3  }
0x118: {  	v24 =	vld [tilespmem:s10+$0xFFFFFF80];
	v9 =	vmov s12;
	v6 =	vmul.f32 v17, v4  }
0x119: {  	v20 =	vld [tilespmem:s17+$0xFFFFFF80];
	v3 =	vand.u32 $0xFFFFFFFE, v9  }
0x11a: {  	v23 =	vld [tilespmem:s17+$0xFFFFFFA0];
	[tilespmem:s18+$0x50] =	vst v6;
	v6 =	vbroadcast v3, $0x0  }
0x11b: {  	v1 =	vmul.f32 v12, v1;
	v21 =	vld [tilespmem:s9+$0xFFFFFF80]  }
0x11c: {  	v22 =	vld [tilespmem:s17+$0xFFFFFF90]  }
0x11d: {  	v19 =	vld [tilespmem:s9+$0xFFFFFF90];
	v9 =	vmul.f32 v0, v14  }
0x11e: {  	[tilespmem:s16+$0x70] =	vst v1;
	v18 =	vld [tilespmem:s10+$0xFFFFFF90]  }
0x11f: {  	v17 =	vld [tilespmem:s17+$0xFFFFFFB0];
	[tilespmem:s16+$0xFFFFFF80] =	vst v9;
	v1 =	vpop (erf)  }
0x120: {  	v3 =	vld [tilespmem:s15+$0x60];
	[tilespmem:v6+s7+$0x0] =	vst.idx.msk $0x1, v1  }
0x121: {  	v56 =	vld [tilespmem:s9+$0xFFFFFFD0];
	v6, _, _ =	vpop (xrf2)  }
0x122: {  	v6 =	vmul.f32 $1.442695020e+00, v6;
	_ =	sdelay $0x1  }
0x123: {  	v6 =	vbroadcast v6, $0xF;
	_ =	sdelay $0x1  }
0x124: {  	(erf) = vpow2.f32 v6  }
0x125: {  	v57 =	vld [tilespmem:s17+$0xFFFFFFE0]  }
0x126: {  	v58 =	vld [tilespmem:s10+$0xFFFFFFE0]  }
0x127: {  	v59 =	vld [tilespmem:s9+$0xFFFFFFE0]  }
0x128: {  	s14 =	simm.s32 $0x5;
	v60 =	vld [tilespmem:s17+$0xFFFFFFF0]  }
0x129: {  	v9 =	vmov s14;
	v61 =	vld [tilespmem:s10+$0xFFFFFFF0]  }
0x12a: {  	v62 =	vld [tilespmem:s9+$0xFFFFFFF0]  }
0x12b: {  	v14 =	vadd.f32 v24, v20;
	v10 =	vld [tilespmem:$0xC120]  }
0x12c: {  	v12 =	vld [tilespmem:$0xC110]  }
0x12d: {  	s21 =	simm.s32 $0x380;
	v20 =	vadd.f32 v21, v14;
	v14 =	vld [tilespmem:$0xC100];
	v6 =	vpop (erf)  }
0x12e: {  	v18 =	vadd.f32 v18, v22;
	v21 =	vld [tilespmem:s21+$0x70];
	[tilespmem:v9+s7+$0x0] =	vst.idx.msk $0x1, v6  }
0x12f: {  	v24 =	vmul.f32 $2.000000030e-01, v20;
	v44 =	vld [tilespmem:s17+$0x0]  }
0x130: {  	v18 =	vadd.f32 v19, v18;
	v19 =	vadd.f32 v25, v23;
	v23 =	vld [tilespmem:s21+$0x60]  }
0x131: {  	s19 =	simm.s32 $0x5380;
	v20 =	vmax.f32 v20, v24;
	v25 =	vld [tilespmem:s21+$0x50]  }
0x132: {  	v13 =	vmul.f32 v20, v13;
	v20 =	vld [tilespmem:s19+$0x30]  }
0x133: {  	v19 =	vadd.f32 v26, v19;
	v26 =	vld [tilespmem:s21+$0x40]  }
0x134: {  	v17 =	vadd.f32 v27, v17;
	v27 =	vld [tilespmem:s19+$0x10];
	v22 =	vmul.f32 v6, v44  }
0x135: {  	s20 =	simm.s32 $0x7A80;
	v46 =	vld [tilespmem:s21+$0x0]  }
0x136: {  	s23 =	simm.s32 $0x2B80;
	v47 =	vld [tilespmem:s21+$0x10];
	[tilespmem:s20+$0x0] =	vst v22;
	v22 =	vmul.f32 $2.000000030e-01, v18  }
0x137: {  	v48 =	vld [tilespmem:s23+$0x10]  }
0x138: {  	v45 =	vadd.f32 v55, v54;
	v49 =	vld [tilespmem:s23+$0x20];
	v18 =	vmax.f32 v18, v22;
	v22 =	vmul.f32 $2.000000030e-01, v19  }
0x139: {  	v13 =	vadd.f32 $0.0e+00, v13;
	v17 =	vadd.f32 v50, v17;
	v54 =	vld [tilespmem:s19+$0x70];
	v11 =	vmul.f32 v18, v11  }
0x13a: {  	v55 =	vld [tilespmem:s23+$0xFFFFFFB0];
	v19 =	vmax.f32 v19, v22;
	v22 =	vadd.f32 v52, v51  }
0x13b: {  	v37 =	vld [tilespmem:s21+$0xFFFFFFE0];
	v11 =	vadd.f32 v11, v13;
	v13 =	vmul.f32 $2.000000030e-01, v17;
	v8 =	vmul.f32 v19, v8  }
0x13c: {  	v24 =	vld [tilespmem:s17+$0x10];
	v22 =	vadd.f32 v53, v22  }
0x13d: {  	v13 =	vmax.f32 v17, v13;
	v8 =	vadd.f32 v8, v11;
	v11 =	vld [tilespmem:s23+$0x0]  }
0x13e: {  	v9 =	vld [tilespmem:$0xC130];
	v17 =	vadd.f32 v56, v45;
	v7 =	vmul.f32 v13, v7;
	v13 =	vmul.f32 $2.000000030e-01, v22  }
0x13f: {  	v19 =	vld [tilespmem:s19+$0x0]  }
0x140: {  	v18 =	vld [tilespmem:s21+$0x30];
	v7 =	vadd.f32 v7, v8;
	v8 =	vmax.f32 v22, v13;
	v13 =	vmul.f32 $2.000000030e-01, v17  }
0x141: {  	v24 =	vmul.f32 v6, v24;
	v22 =	vld [tilespmem:s21+$0x20];
	v5 =	vmul.f32 v8, v5;
	v8 =	vadd.f32 v58, v57  }
0x142: {  	v13 =	vmax.f32 v17, v13;
	v11 =	vadd.f32 v11, v46;
	v17 =	vld [tilespmem:s23+$0x30]  }
0x143: {  	[tilespmem:s20+$0x10] =	vst v24;
	v5 =	vadd.f32 v5, v7;
	v7 =	vadd.f32 v59, v8;
	v8 =	vmul.f32 v13, v16;
	v13 =	vld [tilespmem:s19+$0x20]  }
0x144: {  	v16 =	vld [tilespmem:s17+$0x20];
	v11 =	vadd.f32 v19, v11;
	v19 =	vadd.f32 v48, v47  }
0x145: {  	v24 =	vadd.f32 v61, v60;
	v50 =	vmul.f32 $2.000000030e-01, v7;
	v5 =	vadd.f32 v8, v5;
	v8 =	vld [tilespmem:s23+$0x40]  }
0x146: {  	v22 =	vadd.f32 v49, v22;
	v51 =	vmul.f32 $2.000000030e-01, v11;
	v19 =	vadd.f32 v27, v19;
	v27 =	vld [tilespmem:s23+$0x50]  }
0x147: {  	v52 =	vld [tilespmem:s19+$0x40];
	v24 =	vadd.f32 v62, v24;
	v7 =	vmax.f32 v7, v50;
	v17 =	vadd.f32 v17, v18  }
0x148: {  	v11 =	vmax.f32 v11, v51;
	v18 =	vmul.f32 $2.000000030e-01, v19;
	v13 =	vadd.f32 v13, v22;
	v22 =	vld [tilespmem:s23+$0x60]  }
0x149: {  	v53 =	vld [tilespmem:s19+$0x50];
	v16 =	vmul.f32 v6, v16;
	v11 =	vmul.f32 v11, v14;
	v20 =	vadd.f32 v20, v17  }
0x14a: {  	v8 =	vadd.f32 v8, v26;
	v17 =	vmax.f32 v19, v18;
	v19 =	vmul.f32 $2.000000030e-01, v13;
	v26 =	vld [tilespmem:s23+$0x70]  }
0x14b: {  	v11 =	vadd.f32 $0.0e+00, v11;
	v17 =	vmul.f32 v17, v12;
	v25 =	vadd.f32 v27, v25;
	v27 =	vld [tilespmem:s19+$0x60]  }
0x14c: {  	v18 =	vld [tilespmem:$0xC140];
	v13 =	vmax.f32 v13, v19;
	v19 =	vmul.f32 $2.000000030e-01, v20;
	v8 =	vadd.f32 v52, v8  }
0x14d: {  	v38 =	vld [tilespmem:s23+$0xFFFFFFE0];
	v11 =	vadd.f32 v17, v11;
	v13 =	vmul.f32 v13, v10;
	v22 =	vadd.f32 v22, v23  }
0x14e: {  	[tilespmem:s20+$0x20] =	vst v16;
	v17 =	vld [tilespmem:$0xC150];
	v16 =	vmax.f32 v20, v19;
	v19 =	vmul.f32 $2.000000030e-01, v8;
	v20 =	vadd.f32 v53, v25  }
0x14f: {  	v23 =	vld [tilespmem:s17+$0x30];
	v11 =	vadd.f32 v13, v11;
	v13 =	vmul.f32 v16, v9;
	v21 =	vadd.f32 v26, v21  }
0x150: {  	v16 =	vld [tilespmem:$0xC160];
	v8 =	vmax.f32 v8, v19;
	v19 =	vmul.f32 $2.000000030e-01, v20;
	v22 =	vadd.f32 v27, v22  }
0x151: {  	v39 =	vld [tilespmem:s19+$0xFFFFFFE0];
	v15 =	vmul.f32 v7, v15;
	v11 =	vadd.f32 v13, v11;
	v8 =	vmul.f32 v8, v18  }
0x152: {  	v7 =	vld [tilespmem:$0xC170];
	v13 =	vadd.f32 v54, v21;
	v19 =	vmax.f32 v20, v19;
	v20 =	vmul.f32 $2.000000030e-01, v22  }
0x153: {  	s26 =	simm.s32 $0x5480;
	v42 =	vld [tilespmem:s19+$0xFFFFFFF0];
	v21 =	vmul.f32 $2.000000030e-01, v24;
	v8 =	vadd.f32 v8, v11;
	v11 =	vmul.f32 v19, v17  }
0x154: {  	s30 =	simm.s32 $0x480;
	v28 =	vld [tilespmem:s26+$0x30];
	v19 =	vmul.f32 v6, v23;
	v20 =	vmax.f32 v22, v20;
	v22 =	vmul.f32 $2.000000030e-01, v13  }
0x155: {  	v32 =	vld [tilespmem:s30+$0xFFFFFFB0];
	v21 =	vmax.f32 v24, v21;
	v8 =	vadd.f32 v11, v8;
	v11 =	vmul.f32 v20, v16  }
0x156: {  	v56 =	vld [tilespmem:s19+$0xFFFFFFB0];
	v5 =	vadd.f32 v15, v5;
	v2 =	vmul.f32 v21, v2;
	[tilespmem:s20+$0x30] =	vst v19;
	v13 =	vmax.f32 v13, v22  }
0x157: {  	v15 =	vld [tilespmem:s17+$0x40];
	v8 =	vadd.f32 v11, v8;
	v11 =	vmul.f32 v13, v7  }
0x158: {  	v60 =	vld [tilespmem:s21+$0xFFFFFFD0];
	v2 =	vadd.f32 v2, v5  }
0x159: {  	v61 =	vld [tilespmem:s23+$0xFFFFFFD0];
	v5 =	vadd.f32 v11, v8  }
0x15a: {  	v62 =	vld [tilespmem:s19+$0xFFFFFFD0];
	(xrf2) =	vadd.scan.msk.f32 $0xffff, v2  }
0x15b: {  	v57 =	vld [tilespmem:s21+$0xFFFFFFC0];
	(xrf2) =	vadd.scan.msk.f32 $0xffff, v5  }
0x15c: {  	v58 =	vld [tilespmem:s23+$0xFFFFFFC0];
	v2 =	vmul.f32 v6, v15  }
0x15d: {  	v59 =	vld [tilespmem:s19+$0xFFFFFFC0]  }
0x15e: {  	v48 =	vld [tilespmem:s21+$0xFFFFFFF0];
	[tilespmem:s20+$0x40] =	vst v2  }
0x15f: {  	v2 =	vld [tilespmem:s17+$0x50]  }
0x160: {  	v49 =	vld [tilespmem:s23+$0xFFFFFFF0]  }
0x161: {  	v25 =	vld [tilespmem:s23+$0xFFFFFFA0]  }
0x162: {  	v53 =	vld [tilespmem:s30+$0x40]  }
0x163: {  	v26 =	vld [tilespmem:s19+$0xFFFFFFA0]  }
0x164: {  	v27 =	vld [tilespmem:s21+$0xFFFFFFB0];
	v5, _, _ =	vpop (xrf2);
	v2 =	vmul.f32 v2, v6  }
0x165: {  	v54 =	vadd.f32 v58, v57;
	v57 =	vld [tilespmem:s30+$0x0];
	v5 =	vmul.f32 $1.442695020e+00, v5;
	v8, _, _ =	vpop (xrf2)  }
0x166: {  	v21 =	vld [tilespmem:s21+$0xFFFFFF90];
	[tilespmem:s20+$0x50] =	vst v2;
	v2 =	vmul.f32 $1.442695020e+00, v8  }
0x167: {  	v13 =	vld [tilespmem:s21+$0xFFFFFF80];
	v5 =	vbroadcast v5, $0xF  }
0x168: {  	v11 =	vld [tilespmem:s23+$0xFFFFFF80];
	v2 =	vbroadcast v2, $0xF  }
0x169: {  	v22 =	vld [tilespmem:s23+$0xFFFFFF90];
	(erf) = vpow2.f32 v5  }
0x16a: {  	v15 =	vld [tilespmem:s19+$0xFFFFFF80];
	(erf) = vpow2.f32 v2  }
0x16b: {  	v23 =	vld [tilespmem:s19+$0xFFFFFF90]  }
0x16c: {  	v24 =	vld [tilespmem:s21+$0xFFFFFFA0]  }
0x16d: {  	v30 =	vadd.f32 v59, v54;
	v59 =	vld [tilespmem:s30+$0x10];
	v44 =	vadd.f32 v11, v13  }
0x16e: {  	s25 =	simm.s32 $0x7;
	v54 =	vld [tilespmem:s26+$0x60];
	v21 =	vadd.f32 v22, v21  }
0x16f: {  	v20 =	vld [tilespmem:s13+$0xFFFFFF90];
	v44 =	vadd.f32 v15, v44;
	v5 =	vmov s25  }
0x170: {  	v27 =	vadd.f32 v55, v27;
	v55 =	vld [tilespmem:s26+$0x10];
	v21 =	vadd.f32 v23, v21  }
0x171: {  	v22 =	vld [tilespmem:s30+$0x70];
	v23 =	vadd.f32 v25, v24;
	v45 =	vmul.f32 $2.000000030e-01, v44  }
0x172: {  	v24 =	vld [tilespmem:s30+$0x60];
	v51 =	vmul.f32 $2.000000030e-01, v21;
	v2 =	vpop (erf)  }
0x173: {  	v25 =	vld [tilespmem:s30+$0x50];
	v23 =	vadd.f32 v26, v23;
	v50 =	vmax.f32 v44, v45;
	v8 =	vpop (erf)  }
0x174: {  	v13 =	vld [tilespmem:$0xC110];
	v21 =	vmax.f32 v21, v51;
	v14 =	vmul.f32 v50, v14;
	[tilespmem:v5+s7+$0x0] =	vst.idx.msk $0x1, v8  }
0x175: {  	s5 =	simm.s32 $0x4;
	v52 =	vmul.f32 $2.000000030e-01, v23;
	v12 =	vmul.f32 v21, v12;
	v21 =	vadd.f32 v56, v27;
	v43 =	vld [tilespmem:s21+$0x0]  }
0x176: {  	s6 =	simm.s32 $0x2C80;
	v58 =	vmov s5;
	v27 =	vld [tilespmem:s30+$0x30];
	v56 =	vadd.f32 v61, v60;
	v14 =	vadd.f32 $0.0e+00, v14  }
0x177: {  	v60 =	vmul.f32 v0, v20;
	v20 =	vand.u32 $0xFFFFFFFE, v58;
	v61 =	vld [tilespmem:s6+$0x10];
	v23 =	vmax.f32 v23, v52  }
0x178: {  	v10 =	vmul.f32 v23, v10;
	v23 =	vld [tilespmem:s26+$0x0];
	v12 =	vadd.f32 v12, v14;
	v14 =	vmul.f32 $2.000000030e-01, v21  }
0x179: {  	v45 =	vbroadcast v20, $0x0;
	v20 =	vld [tilespmem:s6+$0x30]  }
0x17a: {  	v14 =	vmax.f32 v21, v14;
	v10 =	vadd.f32 v10, v12;
	v12 =	vld [tilespmem:s6+$0x0];
	v43 =	vmul.f32 v8, v43  }
0x17b: {  	s23 =	simm.s32 $0x7B80;
	v50 =	vld [tilespmem:s6+$0x60];
	v21 =	vadd.f32 v62, v56;
	v9 =	vmul.f32 v14, v9;
	v14 =	vmul.f32 $2.000000030e-01, v30  }
0x17c: {  	v62 =	vld [tilespmem:s30+$0x20];
	[tilespmem:s23+$0x0] =	vst v43  }
0x17d: {  	v9 =	vadd.f32 v9, v10;
	v10 =	vmax.f32 v30, v14;
	v14 =	vmul.f32 $2.000000030e-01, v21;
	v26 =	vld [tilespmem:s21+$0x10]  }
0x17e: {  	v10 =	vmul.f32 v10, v18;
	v43 =	vld [tilespmem:s6+$0x20]  }
0x17f: {  	v15 =	vld [tilespmem:$0xC100];
	v20 =	vadd.f32 v20, v27;
	v14 =	vmax.f32 v21, v14;
	v12 =	vadd.f32 v12, v57  }
0x180: {  	v24 =	vadd.f32 v50, v24;
	v9 =	vadd.f32 v10, v9;
	v14 =	vmul.f32 v14, v17;
	v17 =	vld [tilespmem:s26+$0x20]  }
0x181: {  	v29 =	vld [tilespmem:s17+$0x60];
	v12 =	vadd.f32 v23, v12;
	v23 =	vadd.f32 v61, v59  }
0x182: {  	v28 =	vadd.f32 v28, v20;
	v14 =	vadd.f32 v14, v9;
	v9 =	vld [tilespmem:s6+$0x40];
	v26 =	vmul.f32 v8, v26  }
0x183: {  	v27 =	vld [tilespmem:s26+$0x40];
	v47 =	vmul.f32 $2.000000030e-01, v12;
	v23 =	vadd.f32 v55, v23;
	v30 =	vadd.f32 v43, v62  }
0x184: {  	v3 =	vmul.f32 v3, v4;
	v18 =	vadd.f32 v38, v37;
	[tilespmem:s23+$0x10] =	vst v26;
	v26 =	vadd.f32 v49, v48;
	v48 =	vld [tilespmem:s6+$0x50]  }
0x185: {  	v12 =	vmax.f32 v12, v47;
	v17 =	vadd.f32 v17, v30;
	v49 =	vmul.f32 $2.000000030e-01, v23;
	v21 =	vld [tilespmem:s21+$0x20]  }
0x186: {  	v11 =	vld [tilespmem:$0xC120];
	v24 =	vadd.f32 v54, v24;
	v10 =	vadd.f32 v39, v18;
	v12 =	vmul.f32 v12, v15  }
0x187: {  	v52 =	vld [tilespmem:s26+$0x50];
	v9 =	vadd.f32 v9, v53;
	v20 =	vmax.f32 v23, v49;
	v23 =	vmul.f32 $2.000000030e-01, v17  }
0x188: {  	v18 =	vmul.f32 v29, v6;
	v46 =	vmul.f32 $2.000000030e-01, v10;
	v5 =	vld [tilespmem:$0xC130];
	v12 =	vadd.f32 $0.0e+00, v12  }
0x189: {  	v53 =	vld [tilespmem:s6+$0x70];
	v9 =	vadd.f32 v27, v9;
	v20 =	vmul.f32 v20, v13;
	v17 =	vmax.f32 v17, v23  }
0x18a: {  	v23 =	vmul.f32 $2.000000030e-01, v28;
	v25 =	vadd.f32 v48, v25;
	v51 =	vmul.f32 v8, v21;
	v21 =	vld [tilespmem:$0xC140]  }
0x18b: {  	v10 =	vmax.f32 v10, v46;
	v27 =	vld [tilespmem:s26+$0x70];
	v12 =	vadd.f32 v20, v12;
	v17 =	vmul.f32 v17, v11  }
0x18c: {  	v55 =	vmul.f32 $2.000000030e-01, v9;
	v20 =	vld [tilespmem:$0xC150];
	v23 =	vmax.f32 v28, v23;
	v25 =	vadd.f32 v52, v25;
	[tilespmem:s23+$0x20] =	vst v51  }
0x18d: {  	v58 =	vmul.f32 v10, v16;
	v12 =	vadd.f32 v17, v12;
	v23 =	vmul.f32 v23, v5;
	v56 =	vld [tilespmem:s21+$0x30]  }
0x18e: {  	v22 =	vadd.f32 v53, v22;
	v9 =	vmax.f32 v9, v55;
	v17 =	vld [tilespmem:$0xC160];
	v57 =	vmul.f32 $2.000000030e-01, v25  }
0x18f: {  	v33 =	vld [tilespmem:s6+$0xFFFFFFB0];
	v26 =	vadd.f32 v42, v26;
	v10 =	vadd.f32 v23, v12;
	v9 =	vmul.f32 v9, v21  }
0x190: {  	v16 =	vld [tilespmem:$0xC170];
	v12 =	vadd.f32 v27, v22;
	v23 =	vmul.f32 $2.000000030e-01, v24;
	v22 =	vmax.f32 v25, v57  }
0x191: {  	v19 =	vld [tilespmem:s15+$0xFFFFFF80];
	v25 =	vmul.f32 $2.000000030e-01, v26;
	v22 =	vmul.f32 v22, v20;
	v10 =	vadd.f32 v9, v10  }
0x192: {  	v36 =	vld [tilespmem:s30+$0xFFFFFFC0];
	s9 =	simm.s32 $0x5580;
	[tilespmem:s18+$0x60] =	vst v3;
	v23 =	vmax.f32 v24, v23;
	v24 =	vmul.f32 $2.000000030e-01, v12;
	v3 =	vmul.f32 v8, v56  }
0x193: {  	s10 =	simm.s32 $0x2D80;
	v35 =	vld [tilespmem:s9+$0xFFFFFF90];
	[tilespmem:s20+$0x60] =	vst v18;
	v23 =	vmul.f32 v23, v17;
	v18 =	vmax.f32 v26, v25;
	v22 =	vadd.f32 v22, v10  }
0x194: {  	v40 =	vld [tilespmem:s10+$0xFFFFFFB0];
	v14 =	vadd.f32 v58, v14;
	v7 =	vmul.f32 v18, v7;
	[tilespmem:s23+$0x30] =	vst v3;
	v3 =	vmax.f32 v12, v24  }
0x195: {  	v12 =	vld [tilespmem:s21+$0x40];
	v18 =	vadd.f32 v23, v22;
	v3 =	vmul.f32 v3, v16  }
0x196: {  	v41 =	vld [tilespmem:s9+$0xFFFFFFB0];
	v19 =	vmul.f32 v1, v19;
	v7 =	vadd.f32 v7, v14  }
0x197: {  	v32 =	vadd.f32 v33, v32;
	v33 =	vld [tilespmem:s9+$0x30];
	v3 =	vadd.f32 v3, v18  }
0x198: {  	[tilespmem:s18+$0xFFFFFF80] =	vst v19;
	v19 =	vld [tilespmem:s30+$0xFFFFFF80];
	(xrf2) =	vadd.scan.msk.f32 $0xffff, v7  }
0x199: {  	[tilespmem:s16+$0xFFFFFF90] =	vst v60;
	v60 =	vld [tilespmem:s6+$0xFFFFFFA0];
	(xrf2) =	vadd.scan.msk.f32 $0xffff, v3  }
0x19a: {  	v54 =	vld [tilespmem:s26+$0xFFFFFFD0];
	v3 =	vmul.f32 v8, v12  }
0x19b: {  	v37 =	vld [tilespmem:s6+$0xFFFFFFC0]  }
0x19c: {  	v38 =	vld [tilespmem:s26+$0xFFFFFFC0];
	[tilespmem:s23+$0x40] =	vst v3  }
0x19d: {  	v3 =	vld [tilespmem:s21+$0x50]  }
0x19e: {  	[tilespmem:v45+s7+$0x0] =	vst.idx.msk $0x1, v2;
	v45 =	vld [tilespmem:s10+$0x70]  }
0x19f: {  	v59 =	vld [tilespmem:s30+$0xFFFFFFA0]  }
0x1a0: {  	v61 =	vld [tilespmem:s26+$0xFFFFFFA0]  }
0x1a1: {  	v46 =	vld [tilespmem:s6+$0xFFFFFFF0]  }
0x1a2: {  	v47 =	vld [tilespmem:s26+$0xFFFFFFF0];
	v7, _, _ =	vpop (xrf2);
	v3 =	vmul.f32 v3, v8  }
0x1a3: {  	v58 =	vld [tilespmem:s30+$0xFFFFFFF0];
	v7 =	vmul.f32 $1.442695020e+00, v7;
	v12, _, _ =	vpop (xrf2)  }
0x1a4: {  	v53 =	vld [tilespmem:s6+$0xFFFFFFD0];
	[tilespmem:s23+$0x50] =	vst v3;
	v3 =	vmul.f32 $1.442695020e+00, v12  }
0x1a5: {  	v55 =	vld [tilespmem:s30+$0xFFFFFFE0];
	v7 =	vbroadcast v7, $0xF  }
0x1a6: {  	v62 =	vld [tilespmem:s26+$0xFFFFFFB0];
	v3 =	vbroadcast v3, $0xF  }
0x1a7: {  	v43 =	vld [tilespmem:s10+$0xFFFFFFC0];
	(erf) = vpow2.f32 v7  }
0x1a8: {  	v28 =	vld [tilespmem:s26+$0xFFFFFF90];
	(erf) = vpow2.f32 v3  }
0x1a9: {  	v52 =	vld [tilespmem:s30+$0xFFFFFFD0]  }
0x1aa: {  	v51 =	vld [tilespmem:s9+$0x0]  }
0x1ab: {  	v27 =	vld [tilespmem:s6+$0xFFFFFF90]  }
0x1ac: {  	s8 =	simm.s32 $0x9;
	v57 =	vld [tilespmem:s26+$0xFFFFFFE0]  }
0x1ad: {  	v9 =	vld [tilespmem:s15+$0x70];
	v7 =	vmov s8  }
0x1ae: {  	v25 =	vld [tilespmem:s26+$0xFFFFFF80]  }
0x1af: {  	v18 =	vld [tilespmem:s6+$0xFFFFFF80]  }
0x1b0: {  	v26 =	vld [tilespmem:s30+$0xFFFFFF90];
	v3 =	vpop (erf)  }
0x1b1: {  	s26 =	simm.s32 $0x580;
	v56 =	vld [tilespmem:s6+$0xFFFFFFE0];
	v12 =	vpop (erf)  }
0x1b2: {  	v30 =	vld [tilespmem:s26+$0x60];
	[tilespmem:v7+s7+$0x0] =	vst.idx.msk $0x1, v12  }
0x1b3: {  	v48 =	vld [tilespmem:s30+$0x0]  }
0x1b4: {  	v50 =	vld [tilespmem:s26+$0x30];
	v49 =	vadd.f32 v18, v19  }
0x1b5: {  	v39 =	vld [tilespmem:s26+$0xFFFFFFB0]  }
0x1b6: {  	v22 =	vld [tilespmem:s17+$0xFFFFFF80];
	v26 =	vadd.f32 v27, v26;
	v25 =	vadd.f32 v25, v49  }
0x1b7: {  	v29 =	vadd.f32 v60, v59;
	v23 =	vld [tilespmem:s15+$0xFFFFFF90]  }
0x1b8: {  	v26 =	vadd.f32 v28, v26;
	v28 =	vld [tilespmem:s26+$0x50];
	v59 =	vmul.f32 $2.000000030e-01, v25;
	v27 =	vmul.f32 v12, v48  }
0x1b9: {  	v49 =	vld [tilespmem:s26+$0x70];
	s8 =	simm.s32 $0x7C80  }
0x1ba: {  	v25 =	vmax.f32 v25, v59;
	v59 =	vld [tilespmem:s10+$0x40];
	[tilespmem:s8+$0x0] =	vst v27;
	v27 =	vadd.f32 v61, v29;
	v61 =	vmul.f32 $2.000000030e-01, v26  }
0x1bb: {  	v15 =	vmul.f32 v25, v15;
	v60 =	vld [tilespmem:s30+$0x10]  }
0x1bc: {  	v37 =	vadd.f32 v37, v36;
	v62 =	vadd.f32 v62, v32;
	v48 =	vld [tilespmem:s26+$0x40];
	v26 =	vmax.f32 v26, v61  }
0x1bd: {  	v15 =	vadd.f32 $0.0e+00, v15;
	v25 =	vmul.f32 $2.000000030e-01, v27;
	v61 =	vld [tilespmem:s10+$0x60];
	v13 =	vmul.f32 v26, v13  }
0x1be: {  	v32 =	vadd.f32 v38, v37;
	v26 =	vld [tilespmem:s9+$0x10]  }
0x1bf: {  	v25 =	vmax.f32 v27, v25;
	v27 =	vmul.f32 $2.000000030e-01, v62;
	v13 =	vadd.f32 v13, v15;
	v15 =	vld [tilespmem:s26+$0x0]  }
0x1c0: {  	v11 =	vmul.f32 v25, v11;
	v25 =	vadd.f32 v53, v52;
	v52 =	vld [tilespmem:s10+$0x0];
	v29 =	vmul.f32 v12, v60  }
0x1c1: {  	v37 =	vmul.f32 v2, v22;
	v53 =	vld [tilespmem:s26+$0x10];
	v22 =	vmax.f32 v62, v27;
	v27 =	vmul.f32 $2.000000030e-01, v32  }
0x1c2: {  	v60 =	vld [tilespmem:s9+$0x40];
	v11 =	vadd.f32 v11, v13;
	v5 =	vmul.f32 v22, v5;
	[tilespmem:s8+$0x10] =	vst v29  }
0x1c3: {  	v23 =	vmul.f32 v1, v23;
	v25 =	vadd.f32 v54, v25;
	v27 =	vmax.f32 v32, v27;
	v13 =	vld [tilespmem:s30+$0x20]  }
0x1c4: {  	v5 =	vadd.f32 v5, v11;
	v11 =	vmul.f32 v27, v21;
	v21 =	vadd.f32 v56, v55;
	v27 =	vld [tilespmem:s10+$0x10]  }
0x1c5: {  	s12 =	simm.s32 $0x6;
	v30 =	vadd.f32 v61, v30;
	v29 =	vadd.f32 v59, v48;
	v54 =	vmul.f32 $2.000000030e-01, v25;
	v55 =	vld [tilespmem:s26+$0x20]  }
0x1c6: {  	v22 =	vmov s12;
	v5 =	vadd.f32 v11, v5;
	v11 =	vadd.f32 v57, v21;
	v21 =	vld [tilespmem:s10+$0x20]  }
0x1c7: {  	v56 =	vld [tilespmem:s10+$0x30];
	v15 =	vadd.f32 v52, v15;
	v52 =	vadd.f32 v45, v49;
	v25 =	vmax.f32 v25, v54  }
0x1c8: {  	v20 =	vmul.f32 v25, v20;
	v25 =	vadd.f32 v46, v58;
	v58 =	vld [tilespmem:s9+$0x20];
	v13 =	vmul.f32 v12, v13  }
0x1c9: {  	v19 =	vld [tilespmem:$0xC100];
	v22 =	vand.u32 $0xFFFFFFFE, v22;
	v15 =	vadd.f32 v51, v15;
	v27 =	vadd.f32 v27, v53  }
0x1ca: {  	v18 =	vld [tilespmem:$0xC110];
	v22 =	vbroadcast v22, $0x0;
	v5 =	vadd.f32 v20, v5;
	v20 =	vadd.f32 v47, v25;
	[tilespmem:s8+$0x20] =	vst v13  }
0x1cb: {  	v25 =	vmul.f32 $2.000000030e-01, v15;
	v26 =	vadd.f32 v26, v27;
	v21 =	vadd.f32 v21, v55;
	v13 =	vld [tilespmem:s30+$0x30]  }
0x1cc: {  	v29 =	vadd.f32 v60, v29;
	v57 =	vmul.f32 $2.000000030e-01, v11;
	v31 =	vadd.f32 v56, v50;
	v27 =	vld [tilespmem:s10+$0x50]  }
0x1cd: {  	v14 =	vld [tilespmem:$0xC120];
	v15 =	vmax.f32 v15, v25;
	v25 =	vmul.f32 $2.000000030e-01, v26;
	v21 =	vadd.f32 v58, v21  }
0x1ce: {  	v62 =	vld [tilespmem:s9+$0x50];
	v51 =	vmul.f32 $2.000000030e-01, v29;
	v11 =	vmax.f32 v11, v57;
	v15 =	vmul.f32 v15, v19  }
0x1cf: {  	v7 =	vld [tilespmem:$0xC130];
	v31 =	vadd.f32 v33, v31;
	v25 =	vmax.f32 v26, v25;
	v44 =	vmul.f32 $2.000000030e-01, v21  }
0x1d0: {  	v47 =	vld [tilespmem:s9+$0x60];
	v46 =	vmul.f32 v12, v13;
	v13 =	vadd.f32 $0.0e+00, v15;
	v15 =	vmul.f32 v25, v18  }
0x1d1: {  	v48 =	vmul.f32 $2.000000030e-01, v31;
	v26 =	vld [tilespmem:$0xC140];
	v25 =	vadd.f32 v27, v28;
	v21 =	vmax.f32 v21, v44  }
0x1d2: {  	v50 =	vld [tilespmem:s9+$0x70];
	[tilespmem:v22+s7+$0x0] =	vst.idx.msk $0x1, v3;
	v21 =	vmul.f32 v21, v14;
	v15 =	vadd.f32 v15, v13  }
0x1d3: {  	[tilespmem:s20+$0xFFFFFF80] =	vst v37;
	v22 =	vmax.f32 v29, v51;
	v27 =	vld [tilespmem:$0xC150];
	v28 =	vmax.f32 v31, v48;
	v25 =	vadd.f32 v62, v25  }
0x1d4: {  	[tilespmem:s18+$0xFFFFFF90] =	vst v23;
	v23 =	vld [tilespmem:s17+$0xFFFFFF90];
	v11 =	vmul.f32 v11, v17;
	v15 =	vadd.f32 v21, v15;
	v21 =	vmul.f32 v28, v7  }
0x1d5: {  	v17 =	vmul.f32 $2.000000030e-01, v20;
	v30 =	vadd.f32 v47, v30;
	v28 =	vld [tilespmem:$0xC160];
	v53 =	vmul.f32 $2.000000030e-01, v25  }
0x1d6: {  	v10 =	vld [tilespmem:s17+$0x70];
	v5 =	vadd.f32 v11, v5;
	v11 =	vadd.f32 v21, v15;
	v15 =	vmul.f32 v22, v26  }
0x1d7: {  	v55 =	vmul.f32 $2.000000030e-01, v30;
	[tilespmem:s8+$0x30] =	vst v46;
	v21 =	vadd.f32 v50, v52;
	v22 =	vld [tilespmem:$0xC170];
	v25 =	vmax.f32 v25, v53  }
0x1d8: {  	v17 =	vmax.f32 v20, v17;
	v20 =	vld [tilespmem:s30+$0x40];
	v11 =	vadd.f32 v15, v11;
	v15 =	vmul.f32 v25, v27  }
0x1d9: {  	v42 =	vld [tilespmem:s26+$0xFFFFFFC0];
	v16 =	vmul.f32 v17, v16;
	v17 =	vmax.f32 v30, v55;
	v25 =	vmul.f32 $2.000000030e-01, v21  }
0x1da: {  	v24 =	vld [tilespmem:s13+$0xFFFFFFA0];
	v23 =	vmul.f32 v2, v23;
	v11 =	vadd.f32 v15, v11;
	v15 =	vmul.f32 v17, v28  }
0x1db: {  	v10 =	vmul.f32 v10, v6;
	v6 =	vld [tilespmem:$0xC120];
	v5 =	vadd.f32 v16, v5;
	v16 =	vmax.f32 v21, v25  }
0x1dc: {  	[tilespmem:s20+$0xFFFFFF90] =	vst v23;
	v34 =	vld [tilespmem:s21+$0x60];
	v11 =	vadd.f32 v15, v11;
	v15 =	vmul.f32 v16, v22  }
0x1dd: {  	v23 =	vld [tilespmem:s17+$0xFFFFFFA0];
	(xrf2) =	vadd.scan.msk.f32 $0xffff, v5;
	v5 =	vmul.f32 v12, v20  }
0x1de: {  	v61 =	vld [tilespmem:s10+$0xFFFFFFA0];
	v11 =	vadd.f32 v15, v11  }
0x1df: {  	v59 =	vld [tilespmem:s10+$0xFFFFFF90];
	[tilespmem:s8+$0x40] =	vst v5  }
0x1e0: {  	v5 =	vld [tilespmem:s30+$0x50];
	(xrf2) =	vadd.scan.msk.f32 $0xffff, v11  }
0x1e1: {  	v45 =	vld [tilespmem:s26+$0xFFFFFFD0]  }
0x1e2: {  	v49 =	vld [tilespmem:s10+$0xFFFFFFE0]  }
0x1e3: {  	v60 =	vld [tilespmem:s26+$0xFFFFFFA0]  }
0x1e4: {  	v56 =	vld [tilespmem:s9+$0xFFFFFF80]  }
0x1e5: {  	v29 =	vld [tilespmem:s15+$0xFFFFFFA0];
	v5 =	vmul.f32 v5, v12  }
0x1e6: {  	v57 =	vld [tilespmem:s10+$0xFFFFFFD0]  }
0x1e7: {  	v51 =	vld [tilespmem:s26+$0xFFFFFFF0];
	v11, _, _ =	vpop (xrf2);
	[tilespmem:s8+$0x50] =	vst v5  }
0x1e8: {  	v5 =	vmul.f32 $1.442695020e+00, v11;
	v11 =	vld [tilespmem:s30+$0x60]  }
0x1e9: {  	v54 =	vld [tilespmem:s21+$0xFFFFFF80]  }
0x1ea: {  	v17 =	vld [tilespmem:s10+$0xFFFFFF80];
	v5 =	vbroadcast v5, $0xF;
	v15, _, _ =	vpop (xrf2)  }
0x1eb: {  	v24 =	vmul.f32 v0, v24;
	v21 =	vld [tilespmem:s26+$0xFFFFFF80];
	v15 =	vmul.f32 $1.442695020e+00, v15  }
0x1ec: {  	v58 =	vld [tilespmem:s26+$0xFFFFFF90];
	(erf) = vpow2.f32 v5  }
0x1ed: {  	[tilespmem:s16+$0xFFFFFFA0] =	vst v24;
	v47 =	vld [tilespmem:s9+$0xFFFFFFD0];
	v5 =	vmul.f32 v11, v12;
	v11 =	vbroadcast v15, $0xF  }
0x1ee: {  	v30 =	vld [tilespmem:s13+$0xFFFFFFB0]  }
0x1ef: {  	v44 =	vld [tilespmem:s9+$0xFFFFFFC0];
	(erf) = vpow2.f32 v11  }
0x1f0: {  	v34 =	vmul.f32 v34, v8;
	v48 =	vld [tilespmem:s26+$0xFFFFFFE0];
	v21 =	vadd.f32 v17, v21  }
0x1f1: {  	v33 =	vadd.f32 v59, v58;
	v62 =	vld [tilespmem:s9+$0xFFFFFFA0]  }
0x1f2: {  	[tilespmem:s23+$0x60] =	vst v34;
	v31 =	vld [tilespmem:s10+$0xFFFFFFF0];
	v32 =	vadd.f32 v56, v21  }
0x1f3: {  	s5 =	simm.s32 $0x2E80;
	s19 =	simm.s32 $0xB;
	v60 =	vadd.f32 v61, v60;
	v13 =	vld [tilespmem:s21+$0x70];
	v33 =	vadd.f32 v35, v33;
	v30 =	vmul.f32 v0, v30  }
0x1f4: {  	v46 =	vld [tilespmem:s5+$0x60];
	v20 =	vmov s19;
	v16 =	vmul.f32 v3, v54;
	v59 =	vmul.f32 $2.000000030e-01, v32  }
0x1f5: {  	v50 =	vld [tilespmem:s9+$0xFFFFFFE0]  }
0x1f6: {  	s25 =	simm.s32 $0x5680;
	v61 =	vmul.f32 $2.000000030e-01, v33;
	v52 =	vld [tilespmem:s9+$0xFFFFFFF0];
	v35 =	vadd.f32 v62, v60;
	[tilespmem:s16+$0xFFFFFFB0] =	vst v30;
	v32 =	vmax.f32 v32, v59  }
0x1f7: {  	v30 =	vld [tilespmem:s25+$0xFFFFFF80];
	v19 =	vmul.f32 v32, v19;
	[tilespmem:s8+$0x60] =	vst v5;
	v5 =	vpop (erf)  }
0x1f8: {  	v33 =	vmax.f32 v33, v61;
	v55 =	vmul.f32 $2.000000030e-01, v35;
	[tilespmem:s23+$0xFFFFFF80] =	vst v16;
	v17 =	vld [tilespmem:$0xC120];
	v16 =	vpop (erf)  }
0x1f9: {  	v18 =	vmul.f32 v33, v18;
	v21 =	vld [tilespmem:$0xC100];
	v19 =	vadd.f32 $0.0e+00, v19;
	[tilespmem:v20+s7+$0x0] =	vst.idx.msk $0x1, v16  }
0x1fa: {  	v35 =	vmax.f32 v35, v55;
	v53 =	vld [tilespmem:s26+$0x0]  }
0x1fb: {  	v57 =	vadd.f32 v57, v45;
	v14 =	vmul.f32 v35, v14;
	v59 =	vld [tilespmem:s5+$0x0];
	v18 =	vadd.f32 v18, v19  }
0x1fc: {  	s14 =	simm.s32 $0x8;
	v32 =	vld [tilespmem:s25+$0x30]  }
0x1fd: {  	v14 =	vadd.f32 v14, v18;
	v18 =	vadd.f32 v47, v57;
	v57 =	vld [tilespmem:s5+$0x30];
	v15 =	vmov s14;
	s14 =	simm.s32 $0x680  }
0x1fe: {  	v54 =	vld [tilespmem:s14+$0x70]  }
0x1ff: {  	v36 =	vld [tilespmem:s14+$0x60];
	v58 =	vmul.f32 v16, v53  }
0x200: {  	s28 =	simm.s32 $0x7D80;
	v37 =	vld [tilespmem:s14+$0x50];
	v53 =	vadd.f32 v40, v39  }
0x201: {  	v33 =	vld [tilespmem:s14+$0x30];
	[tilespmem:s28+$0x0] =	vst v58  }
0x202: {  	v19 =	vadd.f32 v43, v42;
	v34 =	vadd.f32 v41, v53;
	v62 =	vld [tilespmem:s26+$0x10]  }
0x203: {  	v55 =	vld [tilespmem:s14+$0x20]  }
0x204: {  	v19 =	vadd.f32 v44, v19;
	v40 =	vld [tilespmem:s14+$0x40];
	v56 =	vmul.f32 $2.000000030e-01, v34  }
0x205: {  	v58 =	vld [tilespmem:s14+$0x0]  }
0x206: {  	v15 =	vand.u32 $0xFFFFFFFE, v15;
	v61 =	vmul.f32 $2.000000030e-01, v19;
	v41 =	vld [tilespmem:s25+$0x0];
	v34 =	vmax.f32 v34, v56  }
0x207: {  	v53 =	vld [tilespmem:s5+$0x10];
	v7 =	vmul.f32 v34, v7;
	v38 =	vmul.f32 v16, v62;
	v62 =	vadd.f32 v49, v48  }
0x208: {  	v11 =	vbroadcast v15, $0x0;
	v48 =	vld [tilespmem:s14+$0x10];
	v49 =	vmul.f32 $2.000000030e-01, v18  }
0x209: {  	v39 =	vld [tilespmem:s25+$0x10];
	v7 =	vadd.f32 v7, v14;
	v14 =	vmax.f32 v19, v61;
	[tilespmem:s28+$0x10] =	vst v38;
	v19 =	vadd.f32 v50, v62  }
0x20a: {  	v43 =	vadd.f32 v59, v58;
	v14 =	vmul.f32 v14, v26;
	v60 =	vld [tilespmem:s26+$0x20]  }
0x20b: {  	v56 =	vld [tilespmem:s5+$0x20];
	v18 =	vmax.f32 v18, v49;
	v26 =	vadd.f32 v31, v51;
	v38 =	vmul.f32 $2.000000030e-01, v19  }
0x20c: {  	v59 =	vld [tilespmem:s5+$0x40];
	v7 =	vadd.f32 v14, v7;
	v14 =	vmul.f32 v18, v27;
	v27 =	vadd.f32 v41, v43  }
0x20d: {  	v18 =	vadd.f32 v52, v26;
	v26 =	vld [tilespmem:s25+$0x20];
	v58 =	vadd.f32 v53, v48;
	v19 =	vmax.f32 v19, v38  }
0x20e: {  	v62 =	vld [tilespmem:s5+$0x50];
	v7 =	vadd.f32 v14, v7;
	v61 =	vmul.f32 $2.000000030e-01, v27;
	v14 =	vmul.f32 v19, v28  }
0x20f: {  	[tilespmem:v11+s7+$0x0] =	vst.idx.msk $0x1, v5;
	v11 =	vld [tilespmem:$0xC130];
	v19 =	vmul.f32 $2.000000030e-01, v18;
	v35 =	vmul.f32 v16, v60  }
0x210: {  	v29 =	vmul.f32 v1, v29;
	v20 =	vld [tilespmem:$0xC110];
	v31 =	vadd.f32 v56, v55;
	v38 =	vadd.f32 v39, v58  }
0x211: {  	v27 =	vmax.f32 v27, v61;
	v7 =	vadd.f32 v14, v7;
	v14 =	vmax.f32 v18, v19;
	v19 =	vld [tilespmem:s25+$0x40];
	[tilespmem:s28+$0x20] =	vst v35  }
0x212: {  	v18 =	vadd.f32 v57, v33;
	v45 =	vmul.f32 $2.000000030e-01, v38;
	v26 =	vadd.f32 v26, v31;
	v60 =	vld [tilespmem:s26+$0x30]  }
0x213: {  	v47 =	vadd.f32 v59, v40;
	v48 =	vld [tilespmem:s25+$0x50];
	v37 =	vadd.f32 v62, v37;
	v27 =	vmul.f32 v27, v21  }
0x214: {  	v53 =	vld [tilespmem:s25+$0x60];
	v18 =	vadd.f32 v32, v18;
	v49 =	vmax.f32 v38, v45;
	v50 =	vmul.f32 $2.000000030e-01, v26  }
0x215: {  	v51 =	vld [tilespmem:s5+$0x70];
	v31 =	vadd.f32 v46, v36;
	v27 =	vadd.f32 $0.0e+00, v27;
	v52 =	vmul.f32 v49, v20  }
0x216: {  	v32 =	vld [tilespmem:$0xC140];
	v26 =	vmax.f32 v26, v50;
	v55 =	vmul.f32 $2.000000030e-01, v18;
	v19 =	vadd.f32 v19, v47  }
0x217: {  	v56 =	vld [tilespmem:s25+$0x70];
	v27 =	vadd.f32 v52, v27;
	v26 =	vmul.f32 v26, v17;
	v28 =	vmul.f32 v16, v60  }
0x218: {  	v34 =	vld [tilespmem:$0xC150];
	v58 =	vadd.f32 v48, v37;
	v18 =	vmax.f32 v18, v55;
	v57 =	vmul.f32 $2.000000030e-01, v19  }
0x219: {  	v35 =	vld [tilespmem:$0xC160];
	v61 =	vadd.f32 v53, v31;
	v26 =	vadd.f32 v26, v27;
	v18 =	vmul.f32 v18, v11;
	[tilespmem:s28+$0x30] =	vst v28  }
0x21a: {  	v27 =	vadd.f32 v51, v54;
	v60 =	vmul.f32 $2.000000030e-01, v58;
	v19 =	vmax.f32 v19, v57;
	v59 =	vld [tilespmem:s26+$0x40]  }
0x21b: {  	v24 =	vld [tilespmem:s21+$0xFFFFFF90];
	v14 =	vmul.f32 v14, v22;
	v18 =	vadd.f32 v18, v26;
	v19 =	vmul.f32 v19, v32  }
0x21c: {  	v31 =	vld [tilespmem:$0xC170];
	v22 =	vadd.f32 v56, v27;
	v26 =	vmax.f32 v58, v60;
	v27 =	vmul.f32 $2.000000030e-01, v61  }
0x21d: {  	s10 =	simm.s32 $0x5780;
	v42 =	vld [tilespmem:s25+$0xFFFFFFA0];
	v7 =	vadd.f32 v14, v7;
	v14 =	vadd.f32 v19, v18;
	v18 =	vmul.f32 v26, v34  }
0x21e: {  	[tilespmem:s18+$0xFFFFFFA0] =	vst v29;
	v44 =	vld [tilespmem:s10+$0x30];
	v19 =	vmax.f32 v61, v27;
	v26 =	vmul.f32 $2.000000030e-01, v22  }
0x21f: {  	v29 =	vld [tilespmem:s14+$0xFFFFFF80];
	(xrf2) =	vadd.scan.msk.f32 $0xffff, v7;
	v14 =	vadd.f32 v18, v14;
	v18 =	vmul.f32 v19, v35;
	v7 =	vmul.f32 v16, v59  }
0x220: {  	v15 =	vld [tilespmem:s30+$0x70];
	v19 =	vmax.f32 v22, v26  }
0x221: {  	v25 =	vld [tilespmem:s30+$0xFFFFFF80];
	[tilespmem:s28+$0x40] =	vst v7;
	v7 =	vadd.f32 v18, v14;
	v14 =	vmul.f32 v19, v31  }
0x222: {  	v18 =	vld [tilespmem:s26+$0x50]  }
0x223: {  	v40 =	vld [tilespmem:s14+$0xFFFFFFA0];
	v7 =	vadd.f32 v14, v7  }
0x224: {  	v41 =	vld [tilespmem:s5+$0xFFFFFFA0]  }
0x225: {  	v62 =	vld [tilespmem:s15+$0xFFFFFFB0];
	(xrf2) =	vadd.scan.msk.f32 $0xffff, v7  }
0x226: {  	v39 =	vld [tilespmem:s25+$0xFFFFFF90]  }
0x227: {  	v33 =	vld [tilespmem:s13+$0xFFFFFFC0];
	v7 =	vmul.f32 v18, v16  }
0x228: {  	v36 =	vld [tilespmem:s14+$0xFFFFFF90]  }
0x229: {  	v46 =	vld [tilespmem:s14+$0xFFFFFFC0];
	v14, _, _ =	vpop (xrf2);
	[tilespmem:s28+$0x50] =	vst v7  }
0x22a: {  	s2 =	simm.s32 $0x780;
	v7 =	vmul.f32 $1.442695020e+00, v14;
	v14 =	vld [tilespmem:s26+$0x60]  }
0x22b: {  	v40 =	vadd.f32 v41, v40;
	v41 =	vld [tilespmem:s2+$0x60]  }
0x22c: {  	v48 =	vld [tilespmem:s25+$0xFFFFFFC0]  }
0x22d: {  	v38 =	vld [tilespmem:s5+$0xFFFFFF90];
	v7 =	vbroadcast v7, $0xF  }
0x22e: {  	v45 =	vld [tilespmem:s25+$0xFFFFFFB0]  }
0x22f: {  	v53 =	vld [tilespmem:s5+$0xFFFFFFE0];
	(erf) = vpow2.f32 v7;
	v7 =	vmul.f32 v14, v16;
	v14, _, _ =	vpop (xrf2)  }
0x230: {  	s6 =	simm.s32 $0xA;
	v49 =	vld [tilespmem:s14+$0xFFFFFFD0];
	v14 =	vmul.f32 $1.442695020e+00, v14  }
0x231: {  	v50 =	vld [tilespmem:s5+$0xFFFFFFD0];
	v18 =	vmov s6  }
0x232: {  	v47 =	vld [tilespmem:s5+$0xFFFFFFC0];
	v18 =	vand.u32 $0xFFFFFFFE, v18;
	[tilespmem:s28+$0x60] =	vst v7;
	v7 =	vbroadcast v14, $0xF  }
0x233: {  	v52 =	vld [tilespmem:s14+$0xFFFFFFE0];
	v19 =	vbroadcast v18, $0x0  }
0x234: {  	v55 =	vld [tilespmem:s14+$0xFFFFFFF0];
	(erf) = vpow2.f32 v7  }
0x235: {  	v51 =	vld [tilespmem:s25+$0xFFFFFFD0]  }
0x236: {  	v54 =	vld [tilespmem:s25+$0xFFFFFFE0]  }
0x237: {  	v36 =	vadd.f32 v38, v36;
	v38 =	vld [tilespmem:s2+$0x70]  }
0x238: {  	s9 =	simm.s32 $0xD;
	v28 =	vld [tilespmem:s5+$0xFFFFFF80];
	v7 =	vpop (erf)  }
0x239: {  	v60 =	vld [tilespmem:s14+$0xFFFFFFB0];
	v22 =	vmul.f32 v3, v24;
	v24 =	vmov s9;
	[tilespmem:v19+s7+$0x0] =	vst.idx.msk $0x1, v7;
	v19 =	vmul.f32 v1, v62  }
0x23a: {  	v56 =	vld [tilespmem:s5+$0xFFFFFFF0]  }
0x23b: {  	v61 =	vld [tilespmem:s5+$0xFFFFFFB0]  }
0x23c: {  	v57 =	vld [tilespmem:s25+$0xFFFFFFF0]  }
0x23d: {  	v58 =	vadd.f32 v28, v29;
	v28 =	vld [tilespmem:$0xC120];
	[tilespmem:s18+$0xFFFFFFB0] =	vst v19;
	v19 =	vpop (erf)  }
0x23e: {  	v36 =	vadd.f32 v39, v36;
	v29 =	vld [tilespmem:$0xC110];
	[tilespmem:v24+s7+$0x0] =	vst.idx.msk $0x1, v19  }
0x23f: {  	v58 =	vadd.f32 v30, v58;
	v62 =	vld [tilespmem:s14+$0x0]  }
0x240: {  	[tilespmem:s23+$0xFFFFFF90] =	vst v22;
	v30 =	vld [tilespmem:$0xC100];
	v60 =	vadd.f32 v61, v60;
	v61 =	vmul.f32 $2.000000030e-01, v36  }
0x241: {  	v27 =	vld [tilespmem:s21+$0xFFFFFFA0];
	v59 =	vmul.f32 $2.000000030e-01, v58  }
0x242: {  	v40 =	vadd.f32 v42, v40;
	v42 =	vadd.f32 v45, v60;
	v45 =	vld [tilespmem:s2+$0x40];
	v36 =	vmax.f32 v36, v61  }
0x243: {  	v59 =	vmax.f32 v58, v59;
	v20 =	vmul.f32 v36, v20;
	v36 =	vld [tilespmem:s2+$0x0]  }
0x244: {  	v21 =	vmul.f32 v59, v21;
	v59 =	vadd.f32 v47, v46;
	v46 =	vld [tilespmem:s2+$0x30];
	v37 =	vmul.f32 v19, v62  }
0x245: {  	s31 =	simm.s32 $0x7E80;
	v47 =	vld [tilespmem:s10+$0x10]  }
0x246: {  	v39 =	vadd.f32 v48, v59;
	v59 =	vadd.f32 v53, v52;
	v52 =	vld [tilespmem:s2+$0x10];
	[tilespmem:s31+$0x0] =	vst v37  }
0x247: {  	s12 =	simm.s32 $0x2F80;
	v43 =	vld [tilespmem:s14+$0x10]  }
0x248: {  	v61 =	vmul.f32 $2.000000030e-01, v42;
	v21 =	vadd.f32 $0.0e+00, v21;
	v53 =	vld [tilespmem:s12+$0x10]  }
0x249: {  	v48 =	vld [tilespmem:s10+$0x40];
	v14 =	vmul.f32 v5, v25;
	v62 =	vmul.f32 $2.000000030e-01, v40  }
0x24a: {  	v20 =	vadd.f32 v20, v21;
	v21 =	vmax.f32 v42, v61;
	v61 =	vld [tilespmem:s12+$0x0]  }
0x24b: {  	v18 =	vld [tilespmem:s26+$0x70];
	[tilespmem:s8+$0xFFFFFF80] =	vst v14;
	v14 =	vmul.f32 v2, v23;
	v60 =	vmax.f32 v40, v62  }
0x24c: {  	v62 =	vadd.f32 v50, v49;
	v49 =	vld [tilespmem:s10+$0x0];
	v17 =	vmul.f32 v60, v17;
	v43 =	vmul.f32 v19, v43  }
0x24d: {  	v25 =	vld [tilespmem:s30+$0xFFFFFF90];
	[tilespmem:s20+$0xFFFFFFA0] =	vst v14;
	v60 =	vmul.f32 $2.000000030e-01, v39  }
0x24e: {  	v11 =	vmul.f32 v21, v11;
	v14 =	vld [tilespmem:$0xC140];
	v58 =	vadd.f32 v51, v62;
	v17 =	vadd.f32 v17, v20;
	[tilespmem:s31+$0x10] =	vst v43  }
0x24f: {  	v42 =	vadd.f32 v54, v59;
	v36 =	vadd.f32 v61, v36;
	v21 =	vmax.f32 v39, v60;
	v20 =	vld [tilespmem:s14+$0x20]  }
0x250: {  	v37 =	vld [tilespmem:s2+$0x50];
	v62 =	vmul.f32 $2.000000030e-01, v58;
	v11 =	vadd.f32 v11, v17;
	v17 =	vmul.f32 v21, v32  }
0x251: {  	v54 =	vmul.f32 $2.000000030e-01, v42;
	v21 =	vadd.f32 v56, v55;
	v55 =	vld [tilespmem:s2+$0x20];
	v36 =	vadd.f32 v49, v36  }
0x252: {  	v56 =	vld [tilespmem:s12+$0x20];
	v32 =	vadd.f32 v53, v52;
	v39 =	vmax.f32 v58, v62;
	v11 =	vadd.f32 v17, v11  }
0x253: {  	v60 =	vld [tilespmem:s10+$0x20];
	v17 =	vmul.f32 v39, v34;
	v21 =	vadd.f32 v57, v21;
	v57 =	vmax.f32 v42, v54  }
0x254: {  	v58 =	vld [tilespmem:s12+$0x30];
	v32 =	vadd.f32 v47, v32;
	v61 =	vmul.f32 $2.000000030e-01, v36;
	v20 =	vmul.f32 v19, v20  }
0x255: {  	v62 =	vld [tilespmem:s12+$0x50];
	v11 =	vadd.f32 v17, v11;
	v17 =	vmul.f32 v57, v35;
	v59 =	vmul.f32 $2.000000030e-01, v21  }
0x256: {  	v35 =	vmax.f32 v36, v61;
	v49 =	vmul.f32 $2.000000030e-01, v32;
	[tilespmem:s31+$0x20] =	vst v20;
	v20 =	vld [tilespmem:s12+$0x40]  }
0x257: {  	v34 =	vadd.f32 v56, v55;
	v11 =	vadd.f32 v17, v11;
	v17 =	vmax.f32 v21, v59;
	v21 =	vld [tilespmem:s14+$0x30]  }
0x258: {  	v24 =	vld [tilespmem:$0xC130];
	v35 =	vmul.f32 v35, v30  }
0x259: {  	v50 =	vld [tilespmem:s12+$0x60];
	v47 =	vadd.f32 v58, v46;
	v32 =	vmax.f32 v32, v49;
	v34 =	vadd.f32 v60, v34  }
0x25a: {  	v51 =	vld [tilespmem:s10+$0x50];
	v37 =	vadd.f32 v62, v37;
	v31 =	vmul.f32 v17, v31;
	v17 =	vmul.f32 v33, v0  }
0x25b: {  	v53 =	vld [tilespmem:s12+$0x70];
	v33 =	vadd.f32 v44, v47;
	v52 =	vmul.f32 $2.000000030e-01, v34;
	v20 =	vadd.f32 v20, v45  }
0x25c: {  	v54 =	vld [tilespmem:s10+$0x60];
	v35 =	vadd.f32 $0.0e+00, v35;
	v32 =	vmul.f32 v32, v29;
	v21 =	vmul.f32 v19, v21  }
0x25d: {  	v22 =	vld [tilespmem:s17+$0xFFFFFFB0];
	v55 =	vmul.f32 $2.000000030e-01, v33;
	v34 =	vmax.f32 v34, v52;
	v40 =	vadd.f32 v48, v20  }
0x25e: {  	v57 =	vadd.f32 v50, v41;
	v56 =	vld [tilespmem:s10+$0x70];
	v20 =	vadd.f32 v32, v35;
	[tilespmem:s31+$0x30] =	vst v21;
	v21 =	vmul.f32 v34, v28  }
0x25f: {  	v60 =	vadd.f32 v51, v37;
	[tilespmem:s16+$0xFFFFFFC0] =	vst v17;
	v17 =	vld [tilespmem:$0xC150];
	v33 =	vmax.f32 v33, v55;
	v59 =	vmul.f32 $2.000000030e-01, v40  }
0x260: {  	v26 =	vld [tilespmem:s26+$0xFFFFFF80];
	v38 =	vadd.f32 v53, v38;
	v33 =	vmul.f32 v33, v24;
	v21 =	vadd.f32 v21, v20  }
0x261: {  	v61 =	vmul.f32 $2.000000030e-01, v60;
	v32 =	vadd.f32 v54, v57;
	v20 =	vld [tilespmem:$0xC160];
	v35 =	vmax.f32 v40, v59  }
0x262: {  	v50 =	vld [tilespmem:s2+$0xFFFFFF90];
	v33 =	vadd.f32 v33, v21;
	v35 =	vmul.f32 v35, v14  }
0x263: {  	v38 =	vadd.f32 v56, v38;
	v36 =	vmax.f32 v60, v61;
	v46 =	vmul.f32 $2.000000030e-01, v32;
	v21 =	vld [tilespmem:$0xC170]  }
0x264: {  	v62 =	vld [tilespmem:s12+$0xFFFFFF80];
	v11 =	vadd.f32 v31, v11;
	v47 =	vmul.f32 v36, v17;
	v33 =	vadd.f32 v35, v33  }
0x265: {  	v56 =	vld [tilespmem:s12+$0xFFFFFFA0];
	v49 =	vmul.f32 $2.000000030e-01, v38;
	v32 =	vmax.f32 v32, v46  }
0x266: {  	(xrf2) =	vadd.scan.msk.f32 $0xffff, v11;
	v11 =	vld [tilespmem:s2+$0xFFFFFF80];
	v32 =	vmul.f32 v32, v20;
	v33 =	vadd.f32 v47, v33  }
0x267: {  	v52 =	vld [tilespmem:s12+$0xFFFFFF90];
	v51 =	vmax.f32 v38, v49  }
0x268: {  	v55 =	vld [tilespmem:s2+$0xFFFFFFA0];
	v53 =	vmul.f32 v51, v21;
	v32 =	vadd.f32 v32, v33  }
0x269: {  	v58 =	vld [tilespmem:s14+$0x40]  }
0x26a: {  	v60 =	vld [tilespmem:s12+$0xFFFFFFB0];
	v32 =	vadd.f32 v53, v32  }
0x26b: {  	v48 =	vld [tilespmem:s10+$0xFFFFFF80]  }
0x26c: {  	v11 =	vadd.f32 v62, v11;
	v62 =	vadd.f32 v52, v50;
	v50 =	vld [tilespmem:s2+$0xFFFFFFC0];
	(xrf2) =	vadd.scan.msk.f32 $0xffff, v32  }
0x26d: {  	v9 =	vmul.f32 v9, v4;
	v54 =	vld [tilespmem:s10+$0xFFFFFF90]  }
0x26e: {  	v52 =	vld [tilespmem:s12+$0xFFFFFFC0];
	v34 =	vmul.f32 v19, v58  }
0x26f: {  	[tilespmem:s18+$0x70] =	vst v9;
	v57 =	vld [tilespmem:s10+$0xFFFFFFA0]  }
0x270: {  	v9 =	vmul.f32 v13, v8;
	v11 =	vadd.f32 v48, v11;
	v58 =	vld [tilespmem:s2+$0xFFFFFFB0];
	[tilespmem:s31+$0x40] =	vst v34  }
0x271: {  	[tilespmem:s20+$0x70] =	vst v10;
	v10 =	vmul.f32 v15, v12;
	v27 =	vmul.f32 v3, v27;
	v34 =	vld [tilespmem:s14+$0x50]  }
0x272: {  	v13 =	vmul.f32 v18, v16;
	v23 =	vld [tilespmem:s15+$0xFFFFFFC0];
	v59, _, _ =	vpop (xrf2);
	v35 =	vadd.f32 v54, v62;
	v51 =	vmul.f32 $2.000000030e-01, v11  }
0x273: {  	v25 =	vmul.f32 v5, v25;
	v45 =	vld [tilespmem:s12+$0xFFFFFFE0];
	v61 =	vmul.f32 $1.442695020e+00, v59  }
0x274: {  	v48 =	vld [tilespmem:s10+$0xFFFFFFB0];
	v33 =	vadd.f32 v56, v55;
	v55 =	vmul.f32 $2.000000030e-01, v35;
	v11 =	vmax.f32 v11, v51  }
0x275: {  	v54 =	vld [tilespmem:s10+$0xFFFFFFC0];
	v62 =	vadd.f32 v52, v50;
	v31 =	vadd.f32 v60, v58;
	v11 =	vmul.f32 v11, v30  }
0x276: {  	v59 =	vld [tilespmem:s10+$0xFFFFFFD0];
	v33 =	vadd.f32 v57, v33;
	v35 =	vmax.f32 v35, v55;
	v34 =	vmul.f32 v34, v19;
	v60, _, _ =	vpop (xrf2)  }
0x277: {  	v50 =	vld [tilespmem:s12+$0xFFFFFFF0];
	v29 =	vmul.f32 v35, v29;
	v11 =	vadd.f32 $0.0e+00, v11;
	v44 =	vmul.f32 $1.442695020e+00, v60  }
0x278: {  	v22 =	vmul.f32 v2, v22;
	v56 =	vld [tilespmem:s2+$0xFFFFFFD0];
	[tilespmem:s31+$0x50] =	vst v34;
	v34 =	vbroadcast v61, $0xF  }
0x279: {  	s19 =	simm.s32 $0xC;
	v57 =	vld [tilespmem:s12+$0xFFFFFFD0];
	v58 =	vmul.f32 $2.000000030e-01, v33;
	v29 =	vadd.f32 v29, v11;
	v11 =	vbroadcast v44, $0xF  }
0x27a: {  	v49 =	vmov s19;
	v31 =	vadd.f32 v48, v31;
	v61 =	vld [tilespmem:s2+$0xFFFFFFE0];
	(erf) = vpow2.f32 v34  }
0x27b: {  	v47 =	vld [tilespmem:s10+$0xFFFFFFE0];
	v32 =	vmax.f32 v33, v58;
	v33 =	vadd.f32 v54, v62;
	(erf) = vpow2.f32 v11  }
0x27c: {  	[tilespmem:s23+$0x70] =	vst v9;
	s25 =	simm.s32 $0xF;
	v26 =	vmul.f32 v7, v26;
	v53 =	vand.u32 $0xFFFFFFFE, v49;
	v49 =	vld [tilespmem:s2+$0xFFFFFFF0];
	v48 =	vmul.f32 $2.000000030e-01, v31  }
0x27d: {  	[tilespmem:s8+$0x70] =	vst v10;
	v37 =	vld [tilespmem:s13+$0xFFFFFFD0];
	v58 =	vmov s25;
	v28 =	vmul.f32 v32, v28;
	v52 =	vmul.f32 $2.000000030e-01, v33  }
0x27e: {  	[tilespmem:s8+$0xFFFFFF90] =	vst v25;
	v42 =	vld [tilespmem:s14+$0x60];
	v30 =	vadd.f32 v57, v56;
	v31 =	vmax.f32 v31, v48;
	v34 =	vbroadcast v53, $0x0  }
0x27f: {  	[tilespmem:s28+$0xFFFFFF80] =	vst v26;
	v53 =	vld [tilespmem:s10+$0xFFFFFFF0];
	v24 =	vmul.f32 v31, v24;
	v25 =	vmax.f32 v33, v52;
	v26 =	vadd.f32 v45, v61  }
0x280: {  	v8 =	vld [tilespmem:$0xC110];
	[tilespmem:s23+$0xFFFFFFA0] =	vst v27;
	v28 =	vadd.f32 v28, v29;
	v30 =	vadd.f32 v59, v30;
	v14 =	vmul.f32 v25, v14  }
0x281: {  	v9 =	vld [tilespmem:$0xC100];
	s5 =	simm.s32 $0x880;
	[tilespmem:s28+$0x70] =	vst v13;
	v23 =	vmul.f32 v23, v1;
	v57 =	vadd.f32 v50, v49;
	v26 =	vadd.f32 v47, v26  }
0x282: {  	v10 =	vld [tilespmem:s5+$0x70];
	[tilespmem:s20+$0xFFFFFFB0] =	vst v22;
	v55 =	vmul.f32 $2.000000030e-01, v30;
	v22 =	vadd.f32 v24, v28;
	v24 =	vmul.f32 v37, v0  }
0x283: {  	v15 =	vld [tilespmem:s5+$0x50];
	[tilespmem:s18+$0xFFFFFFC0] =	vst v23;
	v46 =	vmul.f32 v42, v19;
	v59 =	vmul.f32 $2.000000030e-01, v26;
	v11 =	vpop (erf)  }
0x284: {  	v13 =	vld [tilespmem:s5+$0x60];
	v23 =	vmax.f32 v30, v55;
	[tilespmem:s16+$0xFFFFFFD0] =	vst v24;
	v22 =	vadd.f32 v14, v22;
	v60 =	vadd.f32 v53, v57;
	v14 =	vpop (erf)  }
0x285: {  	v27 =	vld [tilespmem:s30+$0xFFFFFFA0];
	v17 =	vmul.f32 v23, v17;
	v24 =	vmax.f32 v26, v59;
	[tilespmem:v58+s7+$0x0] =	vst.idx.msk $0x1, v14  }
0x286: {  	v62 =	vmul.f32 $2.000000030e-01, v60;
	v20 =	vmul.f32 v24, v20;
	v24 =	vld [tilespmem:s2+$0x0]  }
0x287: {  	v56 =	vld [tilespmem:s26+$0xFFFFFF90];
	[tilespmem:s31+$0x60] =	vst v46;
	v22 =	vadd.f32 v17, v22  }
0x288: {  	v51 =	vld [tilespmem:s14+$0x70];
	v4 =	vmax.f32 v60, v62  }
0x289: {  	v25 =	vld [tilespmem:s21+$0xFFFFFFB0];
	v20 =	vadd.f32 v20, v22;
	v21 =	vmul.f32 v4, v21  }
0x28a: {  	v61 =	vld [tilespmem:s17+$0xFFFFFFC0]  }
0x28b: {  	v23 =	vld [tilespmem:s15+$0xFFFFFFD0];
	v12 =	vadd.f32 v21, v20;
	v16 =	vmul.f32 v14, v24  }
0x28c: {  	s25 =	simm.s32 $0x7F80;
	v17 =	vld [tilespmem:$0xC140]  }
0x28d: {  	v26 =	vld [tilespmem:s13+$0xFFFFFFE0];
	(xrf2) =	vadd.scan.msk.f32 $0xffff, v12;
	v12 =	vmul.f32 v51, v19;
	[tilespmem:s25+$0x0] =	vst v16  }
0x28e: {  	[tilespmem:v34+s7+$0x0] =	vst.idx.msk $0x1, v11;
	v16 =	vld [tilespmem:s2+$0x10]  }
0x28f: {  	v54 =	vld [tilespmem:s14+$0xFFFFFF80];
	[tilespmem:s31+$0x70] =	vst v12;
	v12 =	vmul.f32 v7, v56  }
0x290: {  	s9 =	simm.s32 $0x5880;
	v23 =	vmul.f32 v23, v1;
	v4 =	vld [tilespmem:$0xC130]  }
0x291: {  	v22 =	vld [tilespmem:s9+$0x0];
	[tilespmem:s28+$0xFFFFFF90] =	vst v12;
	v12 =	vmul.f32 v61, v2  }
0x292: {  	[tilespmem:s18+$0xFFFFFFD0] =	vst v23;
	v23 =	vld [tilespmem:s5+$0x0];
	v20 =	vmul.f32 v5, v27  }
0x293: {  	v21 =	vmul.f32 v3, v25;
	v19 =	vld [tilespmem:s5+$0x40];
	[tilespmem:s20+$0xFFFFFFC0] =	vst v12;
	v12 =	vmul.f32 v14, v16  }
0x294: {  	[tilespmem:s8+$0xFFFFFFA0] =	vst v20;
	v20 =	vld [tilespmem:s5+$0x30];
	v18 =	vmul.f32 v11, v54  }
0x295: {  	[tilespmem:s23+$0xFFFFFFB0] =	vst v21;
	v21 =	vld [tilespmem:s9+$0x10]  }
0x296: {  	s10 =	simm.s32 $0x3080;
	[tilespmem:s31+$0xFFFFFF80] =	vst v18;
	v18 =	vld [tilespmem:s9+$0x30];
	v16 =	vmul.f32 v26, v0  }
0x297: {  	s22 =	sand.u32 $0xFF, s22;
	s0 =	simm.s32 $0xE;
	v24 =	vld [tilespmem:s10+$0x0];
	[tilespmem:s25+$0x10] =	vst v12;
	v12, _, _ =	vpop (xrf2)  }
0x298: {  	s1 =	simm.s32 $0x10;
	s6 =	simm.s32 $0x7F80;
	s12 =	simm.s32 $0x12;
	[tilespmem:s16+$0xFFFFFFE0] =	vst v16;
	v16 =	vmul.f32 $1.442695020e+00, v12;
	v12 =	vld [tilespmem:s2+$0x20]  }
.LBB2_3:
0x299: {  	p1 =	slt.u32 s12, $0x4E;
	v25 =	vld [tilespmem:s5+$0x10]  }
0x29a: {  	v26 =	vld [tilespmem:s10+$0x10];
	v16 =	vbroadcast v16, $0xF  }
0x29b: {  	v27 =	vld [tilespmem:s5+$0x20]  }
0x29c: {  	v28 =	vld [tilespmem:s10+$0x20];
	(erf) = vpow2.f32 v16  }
0x29d: {  	v16 =	vadd.f32 v24, v23;
	v23 =	vld [tilespmem:s10+$0x30];
	v12 =	vmul.f32 v14, v12  }
0x29e: {  	v29 =	vmov s0;
	s0 =	smov.u32 s1;
	s1 =	smov.u32 s12;
	v24 =	vld [tilespmem:s9+$0x20]  }
0x29f: {  	v16 =	vadd.f32 v22, v16;
	v22 =	vadd.f32 v26, v25;
	v25 =	vld [tilespmem:s10+$0x40];
	v26 =	vand.u32 $0xFFFFFFFE, v29;
	[tilespmem:s25+$0x20] =	vst v12  }
0x2a0: {  	v26 =	vbroadcast v26, $0x0;
	v12 =	vld [tilespmem:s2+$0x30]  }
0x2a1: {  	v29 =	vmul.f32 $2.000000030e-01, v16;
	v21 =	vadd.f32 v21, v22;
	v22 =	vadd.f32 v28, v27;
	v27 =	vld [tilespmem:s10+$0x50]  }
0x2a2: {  	v20 =	vadd.f32 v23, v20;
	v23 =	vld [tilespmem:s9+$0x40]  }
0x2a3: {  	v16 =	vmax.f32 v16, v29;
	v28 =	vmul.f32 $2.000000030e-01, v21;
	v22 =	vadd.f32 v24, v22;
	v24 =	vld [tilespmem:s10+$0x60]  }
0x2a4: {  	v16 =	vmul.f32 v16, v9;
	v18 =	vadd.f32 v18, v20;
	v19 =	vadd.f32 v25, v19;
	v20 =	vld [tilespmem:s9+$0x50]  }
0x2a5: {  	v21 =	vmax.f32 v21, v28;
	v25 =	vmul.f32 $2.000000030e-01, v22;
	v28 =	vld [tilespmem:s10+$0x70];
	v29 =	vmul.f32 v14, v12;
	v12 =	vpop (erf)  }
0x2a6: {  	v16 =	vadd.f32 $0.0e+00, v16;
	v21 =	vmul.f32 v21, v8;
	v27 =	vadd.f32 v27, v15;
	v30 =	vld [tilespmem:s9+$0x60];
	[tilespmem:v26+s7+$0x0] =	vst.idx.msk $0x1, v12  }
0x2a7: {  	v15 =	vmax.f32 v22, v25;
	v22 =	vmul.f32 $2.000000030e-01, v18;
	v19 =	vadd.f32 v23, v19;
	v23 =	vld [tilespmem:s9+$0x70];
	[tilespmem:s25+$0x30] =	vst v29  }
0x2a8: {  	v16 =	vadd.f32 v21, v16;
	v21 =	vmul.f32 v15, v6;
	v24 =	vadd.f32 v24, v13;
	v25 =	vld [tilespmem:s2+$0x40]  }
0x2a9: {  	v15 =	vld [tilespmem:$0xC150];
	v13 =	vmax.f32 v18, v22;
	v18 =	vmul.f32 $2.000000030e-01, v19;
	v20 =	vadd.f32 v20, v27  }
0x2aa: {  	v22 =	vld [tilespmem:s10+$0xFFFFFF80];
	v16 =	vadd.f32 v21, v16;
	v21 =	vmul.f32 v13, v4;
	v10 =	vadd.f32 v28, v10  }
0x2ab: {  	v13 =	vld [tilespmem:$0xC160];
	v18 =	vmax.f32 v19, v18;
	v19 =	vmul.f32 $2.000000030e-01, v20;
	v24 =	vadd.f32 v30, v24  }
0x2ac: {  	v26 =	vld [tilespmem:s5+$0xFFFFFF80];
	v16 =	vadd.f32 v21, v16;
	v18 =	vmul.f32 v18, v17;
	v21 =	vadd.f32 v23, v10  }
0x2ad: {  	v10 =	vld [tilespmem:$0xC170];
	v19 =	vmax.f32 v20, v19;
	v20 =	vmul.f32 $2.000000030e-01, v24;
	v23 =	vmul.f32 v14, v25  }
0x2ae: {  	v25 =	vld [tilespmem:s9+$0xFFFFFF80];
	v16 =	vadd.f32 v18, v16;
	v18 =	vmul.f32 v19, v15  }
0x2af: {  	v19 =	vld [tilespmem:s5+$0xFFFFFF90];
	v20 =	vmax.f32 v24, v20;
	v24 =	vmul.f32 $2.000000030e-01, v21;
	[tilespmem:s25+$0x40] =	vst v23  }
0x2b0: {  	v16 =	vadd.f32 v18, v16;
	v18 =	vmul.f32 v20, v13;
	v20 =	vld [tilespmem:s2+$0x50]  }
0x2b1: {  	v22 =	vadd.f32 v22, v26;
	v23 =	vld [tilespmem:s10+$0xFFFFFF90];
	v21 =	vmax.f32 v21, v24  }
0x2b2: {  	v24 =	vld [tilespmem:s9+$0xFFFFFF90];
	v16 =	vadd.f32 v18, v16;
	v18 =	vmul.f32 v21, v10  }
0x2b3: {  	v21 =	vadd.f32 v25, v22;
	v22 =	vld [tilespmem:s5+$0xFFFFFFA0]  }
0x2b4: {  	v25 =	vld [tilespmem:s10+$0xFFFFFFA0];
	v16 =	vadd.f32 v18, v16  }
0x2b5: {  	v18 =	vmul.f32 $2.000000030e-01, v21;
	v26 =	vld [tilespmem:s9+$0xFFFFFFA0];
	v20 =	vmul.f32 v20, v14  }
0x2b6: {  	v19 =	vadd.f32 v23, v19;
	v23 =	vld [tilespmem:s5+$0xFFFFFFB0];
	(xrf2) =	vadd.scan.msk.f32 $0xffff, v16  }
0x2b7: {  	v16 =	vmax.f32 v21, v18;
	v18 =	vld [tilespmem:s10+$0xFFFFFFB0];
	[tilespmem:s25+$0x50] =	vst v20  }
0x2b8: {  	v9 =	vmul.f32 v16, v9;
	v16 =	vadd.f32 v24, v19;
	v19 =	vld [tilespmem:s2+$0x60]  }
0x2b9: {  	v20 =	vadd.f32 v25, v22;
	v21 =	vld [tilespmem:s9+$0xFFFFFFB0]  }
0x2ba: {  	v9 =	vadd.f32 $0.0e+00, v9;
	v22 =	vmul.f32 $2.000000030e-01, v16;
	v24 =	vld [tilespmem:s5+$0xFFFFFFC0]  }
0x2bb: {  	v20 =	vadd.f32 v26, v20;
	v25 =	vld [tilespmem:s10+$0xFFFFFFC0]  }
0x2bc: {  	v16 =	vmax.f32 v16, v22;
	v18 =	vadd.f32 v18, v23;
	v22 =	vld [tilespmem:s9+$0xFFFFFFC0]  }
0x2bd: {  	v27 =	vmul.f32 $2.000000030e-01, v20;
	v26 =	vld [tilespmem:s5+$0xFFFFFFD0];
	v19 =	vmul.f32 v19, v14  }
0x2be: {  	v8 =	vmul.f32 v16, v8;
	v16 =	vadd.f32 v21, v18;
	v18 =	vld [tilespmem:s10+$0xFFFFFFD0]  }
0x2bf: {  	v20 =	vmax.f32 v20, v27;
	v21 =	vld [tilespmem:s9+$0xFFFFFFD0];
	[tilespmem:s25+$0x60] =	vst v19  }
0x2c0: {  	v8 =	vadd.f32 v8, v9;
	v9 =	vmul.f32 $2.000000030e-01, v16;
	v19 =	vadd.f32 v25, v24;
	v23, _, _ =	vpop (xrf2);
	v24 =	vld [tilespmem:s2+$0x70]  }
0x2c1: {  	v6 =	vmul.f32 v20, v6;
	v20 =	vld [tilespmem:s5+$0xFFFFFFE0];
	v23 =	vmul.f32 $1.442695020e+00, v23  }
0x2c2: {  	v9 =	vmax.f32 v16, v9;
	v16 =	vadd.f32 v22, v19;
	v19 =	vld [tilespmem:s10+$0xFFFFFFE0]  }
0x2c3: {  	v6 =	vadd.f32 v6, v8;
	v8 =	vadd.f32 v18, v26;
	v18 =	vld [tilespmem:s9+$0xFFFFFFE0];
	v22 =	vbroadcast v23, $0xF  }
0x2c4: {  	v4 =	vmul.f32 v9, v4;
	v9 =	vmul.f32 $2.000000030e-01, v16;
	v23 =	vld [tilespmem:s5+$0xFFFFFFF0]  }
0x2c5: {  	v8 =	vadd.f32 v21, v8;
	v21 =	vld [tilespmem:s10+$0xFFFFFFF0];
	(erf) = vpow2.f32 v22;
	v14 =	vmul.f32 v24, v14  }
0x2c6: {  	v4 =	vadd.f32 v4, v6;
	v6 =	vmax.f32 v16, v9;
	v9 =	vld [tilespmem:s9+$0xFFFFFFF0]  }
0x2c7: {  	v6 =	vmul.f32 v6, v17;
	v16 =	vmul.f32 $2.000000030e-01, v8;
	v17 =	vadd.f32 v19, v20;
	v19 =	vld [tilespmem:s2+$0xFFFFFF80];
	[tilespmem:s25+$0x70] =	vst v14  }
0x2c8: {  	v14 =	vld [tilespmem:s14+$0xFFFFFF90]  }
0x2c9: {  	s19 =	sadd.s32 $0x1, s0;
	v4 =	vadd.f32 v6, v4;
	v6 =	vmax.f32 v8, v16;
	v8 =	vadd.f32 v18, v17;
	v16 =	vld [tilespmem:s26+$0xFFFFFFA0]  }
0x2ca: {  	v18 =	vmov s19;
	v6 =	vmul.f32 v6, v15;
	v15 =	vadd.f32 v21, v23;
	v20 =	vld [tilespmem:s30+$0xFFFFFFB0]  }
0x2cb: {  	v17 =	vmul.f32 $2.000000030e-01, v8;
	v21 =	vld [tilespmem:s21+$0xFFFFFFC0]  }
0x2cc: {  	v4 =	vadd.f32 v6, v4;
	v6 =	vadd.f32 v9, v15;
	v9 =	vmul.f32 v12, v19;
	v15 =	vld [tilespmem:s17+$0xFFFFFFD0]  }
0x2cd: {  	v8 =	vmax.f32 v8, v17;
	v19 =	vmul.f32 v11, v14;
	v22 =	vld [tilespmem:s15+$0xFFFFFFE0]  }
0x2ce: {  	v8 =	vmul.f32 v8, v13;
	v13 =	vmul.f32 $2.000000030e-01, v6;
	v14 =	vpop (erf);
	[tilespmem:s25+$0xFFFFFF80] =	vst v9;
	v9 =	vld [tilespmem:s13+$0xFFFFFFF0];
	s13 =	smov.u32 s15;
	s15 =	smov.u32 s17;
	s17 =	smov.u32 s21  }
0x2cf: {  	v16 =	vmul.f32 v7, v16;
	s21 =	smov.u32 s30;
	s30 =	smov.u32 s26;
	s26 =	smov.u32 s14;
	v17 =	vld [tilespmem:$0xC140];
	[tilespmem:v18+s7+$0x0] =	vst.idx.msk $0x1, v14;
	v18 =	vmul.f32 v5, v20  }
0x2d0: {  	s14 =	smov.u32 s2;
	s2 =	smov.u32 s5;
	v20 =	vadd.f32 v8, v4;
	v6 =	vmax.f32 v6, v13;
	v13 =	vld [tilespmem:s5+$0x0];
	[tilespmem:s31+$0xFFFFFF90] =	vst v19;
	v19 =	vmul.f32 v21, v3  }
0x2d1: {  	v4 =	vld [tilespmem:$0xC130];
	v10 =	vmul.f32 v6, v10;
	[tilespmem:s28+$0xFFFFFFA0] =	vst v16;
	v15 =	vmul.f32 v15, v2  }
0x2d2: {  	v6 =	vld [tilespmem:$0xC120];
	[tilespmem:s8+$0xFFFFFFB0] =	vst v18;
	v16 =	vmul.f32 v22, v1  }
0x2d3: {  	v8 =	vld [tilespmem:$0xC110];
	v18 =	vadd.f32 v10, v20;
	[tilespmem:s23+$0xFFFFFFC0] =	vst v19;
	v19 =	vmul.f32 v9, v0;
	v0 =	vmovc v1;
	v1 =	vmov v2  }
0x2d4: {  	s5 =	sadd.s32 $0x100, s5;
	v2 =	vmovc v3;
	v3 =	vmovc v5;
	v5 =	vmov v7;
	v7 =	vmov v11;
	v11 =	vmov v12;
	v9 =	vld [tilespmem:$0xC100];
	[tilespmem:s20+$0xFFFFFFD0] =	vst v15  }
0x2d5: {  	v10 =	vld [tilespmem:s5+$0x70];
	v12 =	vmul.f32 v14, v13;
	(xrf2) =	vadd.scan.msk.f32 $0xffff, v18;
	[tilespmem:s18+$0xFFFFFFE0] =	vst v16  }
0x2d6: {  	s25 =	sadd.s32 $0x100, s25;
	v13 =	vld [tilespmem:s5+$0x60];
	[tilespmem:s16+$0xFFFFFFF0] =	vst v19;
	s16 =	smov.u32 s18;
	s18 =	smov.u32 s20  }
0x2d7: {  	s20 =	smov.u32 s23;
	s23 =	smov.u32 s8;
	s8 =	smov.u32 s28;
	v15 =	vld [tilespmem:s5+$0x50];
	[tilespmem:s25+$0x0] =	vst v12  }
0x2d8: {  	s9 =	sadd.s32 $0x100, s9;
	s28 =	smov.u32 s31;
	s31 =	smov.u32 s6;
	v12 =	vld [tilespmem:s2+$0x10]  }
0x2d9: {  	s6 =	smov.u32 s25;
	v18 =	vld [tilespmem:s9+$0x30]  }
0x2da: {  	v19 =	vld [tilespmem:s5+$0x40]  }
0x2db: {  	v20 =	vld [tilespmem:s5+$0x30]  }
.Ltmp0:
0x2dc: {  	v21 =	vld [tilespmem:s9+$0x10];
	(pc) =	sbr.rel @p1 .LBB2_3-.Ltmp0, $4  }
0x2dd: {  	v22 =	vld [tilespmem:s9+$0x0];
	v16 =	vmul.f32 v14, v12  }
0x2de: {  	s10 =	sadd.s32 $0x100, s10;
	v23 =	vld [tilespmem:s5+$0x0]  }
0x2df: {  	v24 =	vld [tilespmem:s10+$0x0];
	[tilespmem:s25+$0x10] =	vst v16;
	v12, _, _ =	vpop (xrf2)  }
0x2e0: {  	s12 =	sadd.s32 $0x2, s12;
	v16 =	vmul.f32 $1.442695020e+00, v12;
	v12 =	vld [tilespmem:s2+$0x20]  }
0x2e1: {  	v25 =	vld [tilespmem:s5+$0x10]  }
0x2e2: {  	v26 =	vld [tilespmem:s10+$0x10]  }
0x2e3: {  	v27 =	vld [tilespmem:s5+$0x20]  }
0x2e4: {  	v28 =	vld [tilespmem:s10+$0x20]  }
0x2e5: {  	v29 =	vld [tilespmem:s10+$0x30]  }
0x2e6: {  	v30 =	vld [tilespmem:s9+$0x20]  }
0x2e7: {  	v31 =	vld [tilespmem:s10+$0x40]  }
0x2e8: {  	v32 =	vld [tilespmem:s10+$0x50]  }
0x2e9: {  	v33 =	vld [tilespmem:s10+$0x60]  }
0x2ea: {  	v34 =	vld [tilespmem:s10+$0x70]  }
0x2eb: {  	v35 =	vld [tilespmem:s10+$0xFFFFFF80]  }
0x2ec: {  	v36 =	vld [tilespmem:s10+$0xFFFFFF90]  }
0x2ed: {  	v37 =	vld [tilespmem:s10+$0xFFFFFFA0]  }
0x2ee: {  	v38 =	vld [tilespmem:s10+$0xFFFFFFB0]  }
0x2ef: {  	v62 =	vld [tilespmem:s9+$0x40]  }
0x2f0: {  	v40 =	vld [tilespmem:s9+$0x50]  }
0x2f1: {  	v45 =	vld [tilespmem:s5+$0xFFFFFF80];
	v23 =	vadd.f32 v24, v23  }
0x2f2: {  	v47 =	vld [tilespmem:s5+$0xFFFFFF90]  }
0x2f3: {  	v52 =	vld [tilespmem:s5+$0xFFFFFFA0];
	v22 =	vadd.f32 v22, v23  }
0x2f4: {  	v42 =	vld [tilespmem:s9+$0x60];
	v60 =	vadd.f32 v26, v25;
	v27 =	vadd.f32 v28, v27  }
0x2f5: {  	v43 =	vld [tilespmem:s9+$0x70];
	v20 =	vadd.f32 v29, v20;
	v19 =	vadd.f32 v31, v19  }
0x2f6: {  	v49 =	vld [tilespmem:s9+$0xFFFFFF80];
	v15 =	vadd.f32 v32, v15;
	v13 =	vadd.f32 v33, v13  }
0x2f7: {  	v51 =	vld [tilespmem:s9+$0xFFFFFF90];
	v10 =	vadd.f32 v34, v10;
	v53 =	vadd.f32 v35, v45  }
0x2f8: {  	v56 =	vld [tilespmem:s5+$0xFFFFFFB0];
	v28 =	vadd.f32 v36, v47;
	v36 =	vadd.f32 v37, v52  }
0x2f9: {  	v21 =	vadd.f32 v21, v60;
	v27 =	vadd.f32 v30, v27  }
0x2fa: {  	v54 =	vld [tilespmem:s9+$0xFFFFFFA0];
	v18 =	vadd.f32 v18, v20;
	v19 =	vadd.f32 v62, v19  }
0x2fb: {  	v15 =	vadd.f32 v40, v15;
	v13 =	vadd.f32 v42, v13  }
0x2fc: {  	v61 =	vmul.f32 $2.000000030e-01, v22;
	v10 =	vadd.f32 v43, v10;
	v57 =	vadd.f32 v49, v53  }
0x2fd: {  	v39 =	vld [tilespmem:s10+$0xFFFFFFD0];
	v60 =	vadd.f32 v51, v28;
	v42 =	vadd.f32 v38, v56  }
0x2fe: {  	v58 =	vld [tilespmem:s9+$0xFFFFFFB0];
	v22 =	vmax.f32 v22, v61;
	v41 =	vmul.f32 $2.000000030e-01, v21;
	v44 =	vmul.f32 $2.000000030e-01, v27  }
0x2ff: {  	v24 =	vld [tilespmem:s10+$0xFFFFFFC0];
	v45 =	vadd.f32 v54, v36;
	v46 =	vmul.f32 $2.000000030e-01, v18;
	v22 =	vmul.f32 v22, v9  }
0x300: {  	v25 =	vld [tilespmem:s10+$0xFFFFFFE0];
	v50 =	vmul.f32 $2.000000030e-01, v19;
	v55 =	vmul.f32 $2.000000030e-01, v15;
	v21 =	vmax.f32 v21, v41  }
0x301: {  	v31 =	vld [tilespmem:$0xC150];
	v59 =	vmul.f32 $2.000000030e-01, v13;
	v22 =	vadd.f32 $0.0e+00, v22;
	v21 =	vmul.f32 v21, v8  }
0x302: {  	v43 =	vld [tilespmem:s5+$0xFFFFFFD0];
	v62 =	vmul.f32 $2.000000030e-01, v57;
	v37 =	vmul.f32 $2.000000030e-01, v60;
	v23 =	vmax.f32 v27, v44  }
0x303: {  	v61 =	vld [tilespmem:s5+$0xFFFFFFC0];
	v51 =	vmul.f32 $2.000000030e-01, v45;
	v48 =	vmul.f32 v23, v6;
	v21 =	vadd.f32 v21, v22  }
0x304: {  	v29 =	vld [tilespmem:$0xC160];
	v18 =	vmax.f32 v18, v46;
	v19 =	vmax.f32 v19, v50;
	v15 =	vmax.f32 v15, v55  }
0x305: {  	v40 =	vld [tilespmem:s9+$0xFFFFFFC0];
	v13 =	vmax.f32 v13, v59;
	v18 =	vmul.f32 v18, v4;
	v21 =	vadd.f32 v48, v21  }
0x306: {  	v26 =	vld [tilespmem:s10+$0xFFFFFFF0];
	v41 =	vmax.f32 v57, v62;
	v46 =	vmax.f32 v60, v37;
	v19 =	vmul.f32 v19, v17  }
0x307: {  	v47 =	vld [tilespmem:s9+$0xFFFFFFD0];
	v15 =	vmul.f32 v15, v31;
	v44 =	vmul.f32 v41, v9;
	v18 =	vadd.f32 v18, v21  }
0x308: {  	v50 =	vld [tilespmem:s5+$0xFFFFFFE0];
	v52 =	vmul.f32 v46, v8;
	v56 =	vadd.f32 v39, v43;
	v49 =	vadd.f32 v24, v61  }
0x309: {  	v55 =	vld [tilespmem:s5+$0xFFFFFFF0];
	v13 =	vmul.f32 v13, v29;
	v18 =	vadd.f32 v19, v18;
	v19 =	vadd.f32 v58, v42  }
0x30a: {  	v53 =	vld [tilespmem:s9+$0xFFFFFFE0];
	v9 =	vadd.f32 $0.0e+00, v44;
	v48 =	vmul.f32 $2.000000030e-01, v10;
	v23 =	vadd.f32 v40, v49  }
0x30b: {  	v15 =	vadd.f32 v15, v18;
	v54 =	vmul.f32 $2.000000030e-01, v19;
	v18 =	vmax.f32 v45, v51  }
0x30c: {  	v60 =	vld [tilespmem:s9+$0xFFFFFFF0];
	v8 =	vadd.f32 v52, v9;
	v9 =	vadd.f32 v47, v56;
	v57 =	vmul.f32 v18, v6  }
0x30d: {  	v61 =	vld [tilespmem:$0xC170];
	v24 =	vadd.f32 v25, v50;
	v59 =	vmul.f32 $2.000000030e-01, v23;
	v58 =	vmax.f32 v19, v54  }
0x30e: {  	v32 =	vadd.f32 v26, v55;
	v6 =	vadd.f32 v57, v8;
	v62 =	vmul.f32 v58, v4  }
0x30f: {  	v27 =	vmul.f32 $2.000000030e-01, v9;
	v28 =	vadd.f32 v53, v24;
	v25 =	vmax.f32 v23, v59  }
0x310: {  	v10 =	vmax.f32 v10, v48;
	v33 =	vmul.f32 v25, v17;
	v4 =	vadd.f32 v62, v6  }
0x311: {  	v36 =	vadd.f32 v60, v32;
	v34 =	vmax.f32 v9, v27;
	v35 =	vmul.f32 $2.000000030e-01, v28  }
0x312: {  	v10 =	vmul.f32 v10, v61;
	v37 =	vmul.f32 v34, v31;
	v4 =	vadd.f32 v33, v4  }
0x313: {  	v39 =	vmul.f32 $2.000000030e-01, v36;
	v38 =	vmax.f32 v28, v35;
	v13 =	vadd.f32 v13, v15  }
0x314: {  	v40 =	vmul.f32 v38, v29;
	v4 =	vadd.f32 v37, v4  }
0x315: {  	v41 =	vmax.f32 v36, v39;
	v10 =	vadd.f32 v10, v13  }
0x316: {  	v42 =	vmul.f32 v41, v61;
	v4 =	vadd.f32 v40, v4  }
0x317: {  	(xrf2) =	vadd.scan.msk.f32 $0xffff, v10  }
0x318: {  	v4 =	vadd.f32 v42, v4;
	_ =	sdelay $0x1  }
0x319: {  	(xrf2) =	vadd.scan.msk.f32 $0xffff, v4;
	_ =	sdelay $0x3  }
0x31a: {  	v43 =	vmul.f32 v14, v12;
	_ =	sdelay $0x1  }
0x31b: {  	[tilespmem:s25+$0x20] =	vst v43  }
0x31c: {  	v4 =	vld [tilespmem:s2+$0x30];
	v44, _, _ =	vpop (xrf2)  }
0x31d: {  	v6 =	vmul.f32 $1.442695020e+00, v44  }
0x31e: {  	v45 =	vbroadcast v16, $0xF  }
0x31f: {  	v6 =	vbroadcast v6, $0xF;
	v46, _, _ =	vpop (xrf2)  }
0x320: {  	(erf) = vpow2.f32 v45;
	v47 =	vmul.f32 $1.442695020e+00, v46  }
0x321: {  	v4 =	vmul.f32 v14, v4;
	(erf) = vpow2.f32 v6  }
0x322: {  	v6 =	vbroadcast v47, $0xF  }
0x323: {  	[tilespmem:s25+$0x30] =	vst v4  }
0x324: {  	v4 =	vld [tilespmem:s2+$0x40];
	(erf) = vpow2.f32 v6  }
0x325: {  	s12 =	sadd.s32 $0x1, s1;
	v48 =	vmov s0  }
0x326: {  	v49 =	vmov s12;
	v50 =	vmov s1;
	v6 =	vand.u32 $0xFFFFFFFE, v48  }
0x327: {  	v8 =	vand.u32 $0xFFFFFFFE, v50;
	v6 =	vbroadcast v6, $0x0  }
0x328: {  	v52 =	vbroadcast v8, $0x0  }
0x329: {  	v51 =	vmul.f32 v14, v4;
	v4 =	vpop (erf)  }
0x32a: {  	v8 =	vpop (erf)  }
0x32b: {  	[tilespmem:v49+s7+$0x0] =	vst.idx.msk $0x1, v8  }
0x32c: {  	v9 =	vld [tilespmem:s5+$0x0]  }
0x32d: {  	[tilespmem:v6+s7+$0x0] =	vst.idx.msk $0x1, v4;
	v6 =	vpop (erf)  }
0x32e: {  	v53 =	vld [tilespmem:s2+$0xFFFFFF80];
	[tilespmem:v52+s7+$0x0] =	vst.idx.msk $0x1, v6  }
0x32f: {  	v12 =	vld [tilespmem:s5+$0xFFFFFF80];
	_ =	sdelay $0x1  }
0x330: {  	v56 =	vld [tilespmem:s14+$0xFFFFFF90];
	[tilespmem:s25+$0x40] =	vst v51;
	v9 =	vmul.f32 v8, v9  }
0x331: {  	s19 =	sadd.s32 $0x100, s25;
	v10 =	vld [tilespmem:s2+$0x50]  }
0x332: {  	[tilespmem:s19+$0x0] =	vst v9;
	v54 =	vmul.f32 v4, v53  }
0x333: {  	v55 =	vld [tilespmem:s5+$0x10];
	v12 =	vmul.f32 v6, v12  }
0x334: {  	[tilespmem:s25+$0xFFFFFF80] =	vst v54  }
0x335: {  	v15 =	vmul.f32 v11, v56;
	v9 =	vld [tilespmem:s2+$0xFFFFFF90];
	[tilespmem:s19+$0xFFFFFF80] =	vst v12  }
0x336: {  	v10 =	vmul.f32 v10, v14;
	v12 =	vld [tilespmem:s5+$0xFFFFFF90]  }
0x337: {  	v60 =	vld [tilespmem:s30+$0xFFFFFFB0];
	[tilespmem:s31+$0xFFFFFF90] =	vst v15  }
0x338: {  	v15 =	vld [tilespmem:s14+$0xFFFFFFA0];
	[tilespmem:s25+$0x50] =	vst v10;
	v13 =	vmul.f32 v8, v55  }
0x339: {  	v10 =	vld [tilespmem:s2+$0x60]  }
0x33a: {  	v57 =	vld [tilespmem:s26+$0xFFFFFFA0];
	[tilespmem:s19+$0x10] =	vst v13;
	v9 =	vmul.f32 v4, v9  }
0x33b: {  	v13 =	vld [tilespmem:s5+$0x20];
	v12 =	vmul.f32 v6, v12  }
0x33c: {  	v24 =	vld [tilespmem:s21+$0xFFFFFFC0];
	[tilespmem:s6+$0xFFFFFF90] =	vst v9  }
0x33d: {  	v61 =	vmul.f32 v11, v15;
	v9 =	vld [tilespmem:s2+$0xFFFFFFA0];
	[tilespmem:s19+$0xFFFFFF90] =	vst v12  }
0x33e: {  	v10 =	vmul.f32 v10, v14;
	v12 =	vld [tilespmem:s5+$0xFFFFFFA0]  }
0x33f: {  	v58 =	vld [tilespmem:s15+$0xFFFFFFE0];
	v16 =	vmul.f32 v7, v57;
	[tilespmem:s31+$0xFFFFFFA0] =	vst v61  }
0x340: {  	v20 =	vld [tilespmem:s14+$0xFFFFFFB0];
	[tilespmem:s25+$0x60] =	vst v10;
	v13 =	vmul.f32 v8, v13  }
0x341: {  	v21 =	vmul.f32 v5, v60;
	[tilespmem:s28+$0xFFFFFFA0] =	vst v16;
	v10 =	vld [tilespmem:s2+$0x70]  }
0x342: {  	v16 =	vld [tilespmem:s26+$0xFFFFFFB0];
	[tilespmem:s19+$0x20] =	vst v13;
	v9 =	vmul.f32 v4, v9  }
0x343: {  	[tilespmem:s8+$0xFFFFFFB0] =	vst v21;
	v62 =	vld [tilespmem:s5+$0x30];
	v12 =	vmul.f32 v6, v12  }
0x344: {  	v59 =	vld [tilespmem:s13+$0xFFFFFFF0];
	v29 =	vmul.f32 v24, v3;
	[tilespmem:s6+$0xFFFFFFA0] =	vst v9  }
0x345: {  	v19 =	vmul.f32 v58, v1;
	v9 =	vld [tilespmem:s2+$0xFFFFFFB0];
	[tilespmem:s19+$0xFFFFFFA0] =	vst v12  }
0x346: {  	[tilespmem:s23+$0xFFFFFFC0] =	vst v29;
	v10 =	vmul.f32 v10, v14;
	v14 =	vmul.f32 v11, v20;
	v12 =	vld [tilespmem:s5+$0xFFFFFFB0]  }
0x347: {  	v26 =	vld [tilespmem:s30+$0xFFFFFFC0];
	[tilespmem:s18+$0xFFFFFFE0] =	vst v19;
	v25 =	vmul.f32 v7, v16  }
0x348: {  	v22 =	vld [tilespmem:s15+$0xFFFFFFF0];
	[tilespmem:s31+$0xFFFFFFB0] =	vst v14;
	v23 =	vmul.f32 v8, v62  }
0x349: {  	[tilespmem:s28+$0xFFFFFFB0] =	vst v25;
	v28 =	vld [tilespmem:s14+$0xFFFFFFC0]  }
0x34a: {  	v34 =	vld [tilespmem:s21+$0xFFFFFFD0];
	[tilespmem:s19+$0x30] =	vst v23;
	v9 =	vmul.f32 v4, v9  }
0x34b: {  	[tilespmem:s25+$0x70] =	vst v10;
	v27 =	vld [tilespmem:s5+$0x40];
	v12 =	vmul.f32 v6, v12  }
0x34c: {  	v0 =	vmul.f32 v59, v0;
	v10 =	vld [tilespmem:s26+$0xFFFFFFC0];
	[tilespmem:s6+$0xFFFFFFB0] =	vst v9  }
0x34d: {  	v31 =	vmul.f32 v26, v5;
	v30 =	vld [tilespmem:s2+$0xFFFFFFC0];
	[tilespmem:s19+$0xFFFFFFB0] =	vst v12  }
0x34e: {  	[tilespmem:s16+$0xFFFFFFF0] =	vst v0;
	v0 =	vmul.f32 v22, v1;
	v1 =	vmul.f32 v28, v11;
	v12 =	vld [tilespmem:s5+$0xFFFFFFC0]  }
0x34f: {  	v43 =	vmul.f32 v34, v3;
	[tilespmem:s8+$0xFFFFFFC0] =	vst v31  }
0x350: {  	v36 =	vld [tilespmem:s30+$0xFFFFFFD0];
	[tilespmem:s31+$0xFFFFFFC0] =	vst v1;
	v33 =	vmul.f32 v8, v27  }
0x351: {  	[tilespmem:s23+$0xFFFFFFD0] =	vst v43;
	v35 =	vmul.f32 v10, v7;
	v42 =	vld [tilespmem:s14+$0xFFFFFFD0]  }
0x352: {  	v32 =	vld [tilespmem:s17+$0xFFFFFFD0];
	[tilespmem:s19+$0x40] =	vst v33;
	v38 =	vmul.f32 v30, v4  }
0x353: {  	[tilespmem:s28+$0xFFFFFFC0] =	vst v35;
	v37 =	vld [tilespmem:s5+$0x50];
	v40 =	vmul.f32 v12, v6  }
0x354: {  	v39 =	vld [tilespmem:s26+$0xFFFFFFD0];
	[tilespmem:s6+$0xFFFFFFC0] =	vst v38  }
0x355: {  	v45 =	vmul.f32 v36, v5;
	v44 =	vld [tilespmem:s2+$0xFFFFFFD0];
	[tilespmem:s19+$0xFFFFFFC0] =	vst v40  }
0x356: {  	[tilespmem:s18+$0xFFFFFFF0] =	vst v0;
	v13 =	vmul.f32 v42, v11;
	v46 =	vld [tilespmem:s5+$0xFFFFFFD0]  }
0x357: {  	v41 =	vmul.f32 v32, v2;
	v0 =	vld [tilespmem:s21+$0xFFFFFFE0];
	[tilespmem:s8+$0xFFFFFFD0] =	vst v45  }
0x358: {  	v48 =	vld [tilespmem:s30+$0xFFFFFFE0];
	[tilespmem:s31+$0xFFFFFFD0] =	vst v13;
	v10 =	vmul.f32 v37, v8  }
0x359: {  	[tilespmem:s20+$0xFFFFFFD0] =	vst v41;
	v47 =	vmul.f32 v39, v7;
	v13 =	vld [tilespmem:s14+$0xFFFFFFE0]  }
0x35a: {  	v12 =	vld [tilespmem:s17+$0xFFFFFFE0];
	[tilespmem:s19+$0x50] =	vst v10;
	v50 =	vmul.f32 v44, v4  }
0x35b: {  	[tilespmem:s28+$0xFFFFFFD0] =	vst v47;
	v49 =	vld [tilespmem:s5+$0x60];
	v9 =	vmul.f32 v46, v6  }
0x35c: {  	v0 =	vmul.f32 v0, v3;
	v51 =	vld [tilespmem:s26+$0xFFFFFFE0];
	[tilespmem:s6+$0xFFFFFFD0] =	vst v50  }
0x35d: {  	v52 =	vmul.f32 v48, v5;
	v1 =	vld [tilespmem:s2+$0xFFFFFFE0];
	[tilespmem:s19+$0xFFFFFFD0] =	vst v9  }
0x35e: {  	[tilespmem:s23+$0xFFFFFFE0] =	vst v0;
	v13 =	vmul.f32 v13, v11;
	v53 =	vld [tilespmem:s5+$0xFFFFFFE0]  }
0x35f: {  	v0 =	vld [tilespmem:s21+$0xFFFFFFF0];
	[tilespmem:s8+$0xFFFFFFE0] =	vst v52;
	v12 =	vmul.f32 v12, v2  }
0x360: {  	v55 =	vld [tilespmem:s30+$0xFFFFFFF0];
	[tilespmem:s31+$0xFFFFFFE0] =	vst v13;
	v14 =	vmul.f32 v49, v8  }
0x361: {  	v54 =	vmul.f32 v51, v7;
	v13 =	vld [tilespmem:s14+$0xFFFFFFF0];
	[tilespmem:s20+$0xFFFFFFE0] =	vst v12  }
0x362: {  	v12 =	vld [tilespmem:s17+$0xFFFFFFF0];
	[tilespmem:s19+$0x60] =	vst v14;
	v1 =	vmul.f32 v1, v4  }
0x363: {  	[tilespmem:s28+$0xFFFFFFE0] =	vst v54;
	v14 =	vld [tilespmem:s5+$0x70];
	v10 =	vmul.f32 v53, v6  }
0x364: {  	v0 =	vmul.f32 v0, v3;
	v9 =	vld [tilespmem:s26+$0xFFFFFFF0];
	[tilespmem:s6+$0xFFFFFFE0] =	vst v1  }
0x365: {  	v58 =	vmul.f32 v55, v5;
	v1 =	vld [tilespmem:s2+$0xFFFFFFF0];
	[tilespmem:s19+$0xFFFFFFE0] =	vst v10  }
0x366: {  	[tilespmem:s23+$0xFFFFFFF0] =	vst v0;
	v61 =	vmul.f32 v13, v11;
	v57 =	vld [tilespmem:s5+$0xFFFFFFF0]  }
0x367: {  	[tilespmem:s8+$0xFFFFFFF0] =	vst v58;
	v56 =	vmul.f32 v12, v2  }
0x368: {  	[tilespmem:s31+$0xFFFFFFF0] =	vst v61;
	v59 =	vmul.f32 v14, v8  }
0x369: {  	[tilespmem:s20+$0xFFFFFFF0] =	vst v56;
	v60 =	vmul.f32 v9, v7  }
0x36a: {  	[tilespmem:s19+$0x70] =	vst v59;
	v1 =	vmul.f32 v1, v4  }
0x36b: {  	s1 =	sshll.u32 @!p0 s22, $0x7;
	[tilespmem:s28+$0xFFFFFFF0] =	vst v60;
	v62 =	vmul.f32 v57, v6  }
0x36c: {  	s0 =	sadd.s32 @!p0 $0xA080, s1;
	s8 =	rddreg [dreg:$0x1];
	[tilespmem:s6+$0xFFFFFFF0] =	vst v1  }
0x36d: {  	s2 =	simm.s32 @!p0 $0x50;
	s5 =	simm.s32 @!p0 $0x0;
	s6 =	rddreg [dreg:$0x0];
	[tilespmem:s19+$0xFFFFFFF0] =	vst v62  }
0x36e: {  	[tilespmem:s5], [sflag:$0x1] =	stream.indirect.gather @!p0 [hbm4b:s6+s2], $0x80, s0, s2, $0xb8;
	v63 =	vld [tilespmem:$0x0]  }
0x36f: {  	s0 =	sadd.s32 @!p0 $0xB080, s1;
	s1 =	simm.s32 @!p0 $0x2800;
	s6 =	smul.u32 @!p0 $0x50, s11  }
0x370: {  	[tilespmem:s1], [sflag:$0x1] =	stream.indirect.gather @!p0 [hbm4b:s8+s2], $0x80, s0, s2, $0xb8;
	v63 =	vld [tilespmem:$0x0]  }
0x371: {  	s0 =	rddreg [dreg:$0x15]  }
0x372: {  	s0 =	sadd.s32 @!p0 s0, s6  }
0x373: {  	s1 =	rddreg [dreg:$0x2];
	s0 =	sshll.u32 @!p0 s0, $0x4  }
0x374: {  	s30 =	simm.s32 $0x7800;
	s0 =	sadd.s32 @!p0 s1, s0;
	s1 =	simm.s32 @!p0 $0x5000  }
0x375: {  	[tilespmem:s1], [sflag:$0x1] =	stream.linear.gather @!p0 [hbm4b:s0+s5], $0x2800, $0x38;
	v63 =	vld [tilespmem:$0x0]  }
0x376: {  	s26 =	rddreg [dreg:$0x9];
	s28 =	simm.s32 $0xC080;
	p0 =	sne.s32 s11, $0x7D  }
0x377: {  	[spmem:s26] =	stream.indirect.scatter.add.f32 [tilespmem:s30], [sflag:$0x2], $0x80, s28, s29, $0xb8;
	v63 =	vld [tilespmem:$0x0]  }
.Ltmp1:
0x378: {  	s31 =	rddreg [dreg:$0xa];
	(pc) =	sbr.rel @p0 .LBB2_2-.Ltmp1, $4  }
0x379: {  	[spmem:s31] =	stream.indirect.scatter.add.f32 [tilespmem:s7], [sflag:$0x3], $0x1, s28, s29, $0xb8;
	v63 =	vld [tilespmem:$0x0]  }
0x37a: {  	_ =	swait.ge [sflag:s24], $0x50  }
0x37b: {  	[sflag:s24] =	ssyncset.done $0x0  }
0x37c: {  	[sflag:s24] =	ssyncadd.s32 $0xFFFFFFB0  }
0x37d: {  	s0 =	simm.s32 $0x2  }
0x37e: {  	_ =	swait.ge [sflag:s0], $0x2800  }
0x37f: {  	[sflag:s0] =	ssyncset.done $0x0  }
0x380: {  	[sflag:s0] =	ssyncadd.s32 $0xFFFFD800  }
0x381: {  	[bflag:$0x0] =	sbarrier.arrive $0xFFFF  }
0x382: {  	s10 =	rddreg [dreg:$0x10]  }
0x383: {  	s25 =	rddreg [dreg:$0x17]  }
0x384: {  	s1 =	rddreg [dreg:$0x1b]  }
0x385: {  	[hbm:s25], [sflag:s10] =	dma.local [spmem:s1], $0x2780  }
0x386: {  	_ =	swait.ge [sflag:s24], $0x2780  }
0x387: {  	s28 =	simm.s32 $0x20;
	[sflag:s24] =	ssyncset.done $0x0;
	s26 =	rddreg [dreg:$0x18]  }
0x388: {  	s2 =	simm.s32 $0x10;
	s5 =	rddreg [dreg:$0x1c];
	[sflag:s24] =	ssyncadd.s32 $0xFFFFD880  }
0x389: {  	[hbm:s26@s28], [sflag:s10] =	dma.strided [spmem:s5@s2], $0x50, s4, $0x10   }
0x38a: {  	_ =	swait.ge [sflag:s24], $0x50  }
0x38b: {  	s30 =	rddreg [dreg:$0x1a]  }
0x38c: {  	s31 =	rddreg [dreg:$0x19];
	s1 =	sadd.s32 $0x1, s30  }
0x38d: {  	p0 =	sne.s32 s1, s31  }
.Ltmp2:
0x38e: {  	_ = 	snop;
	(pc) =	sbr.rel @p0 .LBB2_1-.Ltmp2, $3  }
0x38f: {  	_ =	sdelay $0x1  }
0x390: {  	[sflag:s24] =	ssyncset.done $0x0  }
0x391: {  	[sflag:s24] =	ssyncadd.s32 $0xFFFFFFB0  }
0x392: {  	_ =	sfence.sel $0x180000  }
0x393: {  	[bflag:$0x0] =	sbarrier.arrive $0xFFFF  }
0x394: {  	_ =	strace $0x90000047  }
0x395: {  	s0 =	stileid.u32;
	[bflag:$0x2] =	sbarrier.arrive $0xFFFF  }
0x396: {  	p0 =	sne.s32 s0, $0x0;
	s0 =	rddreg [dreg:$0xb]  }
0x397: {  	s0 =	sadd.s32 @!p0 $0x100000, s0  }
0x398: {  	[sflag:s0] =	ssyncadd.tile.s32 @!p0 $0x1;
	_ =	shalt  }
.Lfunc_end2:
_tile_overlayer_lowered:
.L_overlay_start_2:
0x399: {  	(tag) =	ssettag $0x2  }
0x39a: {  	s0 =	rddreg [dreg:$0x0];
	s2 =	stileid.u32  }
0x39b: {  	s1 =	rddreg [dreg:$0x1];
	p0 =	sne.s32 s2, $0x0  }
0x39c: {  	s3 =	rddreg [dreg:$0x2];
	[bflag:$0x3] =	sbarrier.arrive $0xFFFF;
	s2 =	simm.s32 @!p0 $0x1C03  }
0x39d: {  	[timem:s3], [sflag:s2] =	dma.local @!p0 [hbm:s0], s1  }
0x39e: {  	s0 =	simm.s32 @!p0 $0x3  }
0x39f: {  	_ =	swait.ge @!p0 [sflag:s0], s1  }
0x3a0: {  	s1 =	ssub.s32 @!p0 $0x0, s1;
	[sflag:s0] =	ssyncset.done @!p0 $0x0  }
0x3a1: {  	[sflag:s0] =	ssyncadd.s32 @!p0 s1  }
0x3a2: {  	[bflag:$0x3] =	sbarrier.arrive $0xFFFF  }
0x3a3: {  	_ =	shalt  }

</sc_bundles>
